<compile_context>
chip_gen: v7x
topology: tpu7x:2x2x1
jax: 0.10.2.dev20260603
libtpu: 0.0.44.dev20260713+nightly
codegen_flags: <defaults>
</compile_context>

<pallas_src>
import jax
import jax.numpy as jnp
from jax import lax
from jax.experimental import pallas as pl
from jax.experimental.pallas import tpu as pltpu
from jax.experimental.pallas import tpu_sc as plsc


_BS = 2048


def _add_kernel(x_ref, pe_ref, o_ref):
    o_ref[0] = x_ref[0] + pe_ref[...]


def _tc_kernel(x, amp_table):
    B, S, D = x.shape
    grid = (S // _BS, B)
    return pl.pallas_call(
        _add_kernel,
        grid=grid,
        in_specs=[
            pl.BlockSpec((1, _BS, D), lambda i, j: (j, i, 0)),
            pl.BlockSpec((_BS, D), lambda i, j: (i, 0)),
        ],
        out_specs=pl.BlockSpec((1, _BS, D), lambda i, j: (j, i, 0)),
        out_shape=jax.ShapeDtypeStruct((B, S, D), x.dtype),
        compiler_params=pltpu.CompilerParams(
            dimension_semantics=("parallel", "parallel"),
        ),
    )(x, amp_table)



_NC, _NS = 2, 16
_NW = _NC * _NS
_CHD = 8192
_NBUF = 4
_UNROLL = 4


def _sc_body(total_words, pe_words, x_hbm, pe_hbm, out_hbm, x_v, pe_v, rsx, rsp, ws):
    w = lax.axis_index("s") * _NC + lax.axis_index("c")
    words_per_w = total_words // _NW
    base = w * words_per_w
    pe_base = lax.rem(base, pe_words)
    n = words_per_w // _CHD

    def start_read(c, b):
        off = base + c * _CHD
        pltpu.async_copy(x_hbm.at[pl.ds(off, _CHD)], x_v.at[b], rsx.at[b])
        pltpu.async_copy(
            pe_hbm.at[pl.ds(pe_base + c * _CHD, _CHD)], pe_v.at[b], rsp.at[b]
        )

    for b in range(_NBUF - 1):
        start_read(b, b)

    def group(g, carry):
        for u in range(_NBUF):
            c = g * _NBUF + u
            off = base + c * _CHD
            pltpu.make_async_copy(
                x_hbm.at[pl.ds(off, _CHD)], x_v.at[u], rsx.at[u]
            ).wait()
            pltpu.make_async_copy(
                pe_hbm.at[pl.ds(pe_base + c * _CHD, _CHD)], pe_v.at[u], rsp.at[u]
            ).wait()

            def add16(k, carry2, _u=u):
                for j in range(_UNROLL):
                    sl = pl.ds(k * (16 * _UNROLL) + j * 16, 16)
                    x_v[_u, sl] = x_v[_u, sl] + pe_v[_u, sl]
                return carry2

            lax.fori_loop(0, _CHD // (16 * _UNROLL), add16, 0)
            pltpu.async_copy(x_v.at[u], out_hbm.at[pl.ds(off, _CHD)], ws.at[u])

            b2 = (u + _NBUF - 1) % _NBUF
            off_prev = base + (c - 1) * _CHD

            @pl.when(c >= 1)
            def _():
                pltpu.make_async_copy(
                    x_v.at[b2], out_hbm.at[pl.ds(off_prev, _CHD)], ws.at[b2]
                ).wait()

            @pl.when(c + (_NBUF - 1) < n)
            def _():
                start_read(c + (_NBUF - 1), b2)
        return carry

    lax.fori_loop(0, n // _NBUF, group, 0)
    bl = (n - 1) % _NBUF
    pltpu.make_async_copy(
        x_v.at[bl], out_hbm.at[pl.ds(base + (n - 1) * _CHD, _CHD)], ws.at[bl]
    ).wait()


def _sc_kernel(x, amp_table):
    B, S, D = x.shape
    total_words = B * S * D
    pe_words = S * D
    xf = x.reshape(total_words)
    pef = amp_table.reshape(pe_words)
    import functools
    body = functools.partial(_sc_body, total_words, pe_words)
    kf = pl.kernel(
        body,
        out_type=jax.ShapeDtypeStruct((total_words,), jnp.float32),
        mesh=plsc.VectorSubcoreMesh(core_axis_name="c", subcore_axis_name="s"),
        scratch_types=[
            pltpu.VMEM((_NBUF, _CHD), jnp.float32),
            pltpu.VMEM((_NBUF, _CHD), jnp.float32),
            pltpu.SemaphoreType.DMA((_NBUF,)),
            pltpu.SemaphoreType.DMA((_NBUF,)),
            pltpu.SemaphoreType.DMA((_NBUF,)),
        ],
    )
    return kf(xf, pef).reshape(B, S, D)


def kernel(x, amp_table):
    return _sc_kernel(x, amp_table)

# --- scband reference (transcript-rebuilt; emitter-appended) ---
"""Pipeline reference for scband-wave-aware-positional-encoding-45947560133297 (READ-ONLY COPY).

The authoritative reference and input builder live on the scoring server;
editing this copy changes nothing except your own understanding.
"""

import jax, jax.numpy as jnp
import numpy as np

D_MODEL = 1024
MAX_LEN = 8192

def setup_inputs(seed: int = 0) -> dict:
    key = jax.random.key(seed)
    k_x, k_amp = jax.random.split(key, 2)
    x = jax.random.normal(k_x, (4, 8192, D_MODEL), dtype=jnp.float32)
    # learned amplitude positional embedding table (nn.Embedding(max_len, d_model))
    amp_table = jax.random.normal(k_amp, (MAX_LEN, D_MODEL), dtype=jnp.float32) * 0.02
    return {"x": x, "amp_table": amp_table}

def reference(x, amp_table):
    # component='amp' branch of WaveAwarePositionalEncoding.forward:
    #   seq_len = x.size(1)
    #   positions = arange(seq_len)
    #   return x + amp_pe(positions).unsqueeze(0)
    seq_len = x.shape[1]
    positions = jnp.arange(seq_len)
    pe = jnp.take(amp_table, positions, axis=0)  # embedding lookup / gather
    return x + pe[None, :, :]

if __name__ == "__main__":
    import jax
    _d = setup_inputs()
    print(jax.jit(kernel)(*tuple(_d.values())))

</pallas_src>

<mosaic_0001>
#map = affine_map<(d0, d1) -> (0)>
module attributes {stable_mosaic.version = 14 : i64} {
  func.func @_sc_body(%arg0: i32, %arg1: i32, %arg2: memref<33554432xf32, #tpu.memory_space<hbm>>, %arg3: memref<8388608xf32, #tpu.memory_space<hbm>>, %arg4: memref<33554432xf32, #tpu.memory_space<hbm>>, %arg5: memref<4x8192xf32, #tpu.memory_space<vmem>>, %arg6: memref<4x8192xf32, #tpu.memory_space<vmem>>, %arg7: memref<4x!tpu.dma_semaphore, #tpu.memory_space<semaphore_mem>>, %arg8: memref<4x!tpu.dma_semaphore, #tpu.memory_space<semaphore_mem>>, %arg9: memref<4x!tpu.dma_semaphore, #tpu.memory_space<semaphore_mem>>) attributes {dimension_semantics = [#tpu.dimension_semantics<core_parallel>, #tpu.dimension_semantics<subcore_parallel>], iteration_bounds = array<i64: 2, 16>, scalar_prefetch = 0 : i64, scratch_operands = 5 : i64, tpu.core_type = #tpu.core_type<sc_vector_subcore>, window_params = [{transform_indices = #map}, {transform_indices = #map}, {transform_indices = #map}]} {
    %mul3A = arith.constant 2 : i32
    %mul3A_0 = arith.muli %arg1, %mul3A : i32
    %add3A = arith.addi %mul3A_0, %arg0 : i32
    %mul3A_1 = arith.constant 1048576 : i32
    %mul3A_2 = arith.muli %add3A, %mul3A_1 : i32
    %rem3A = arith.constant 8388608 : i32
    %rem3A_3 = arith.remsi %mul3A_2, %rem3A : i32
    %add3A_4 = arith.constant 0 : i32
    %add3A_5 = arith.addi %mul3A_2, %add3A_4 : i32
    %dma_start3A = arith.constant 0 : i32
    %dma_start3A_6 = arith.constant 0 : i32
    %dma_start3A_7 = arith.constant 0 : i32
    %dma_start3A_8 = tpu.memref_slice %arg5[%dma_start3A, %dma_start3A_7] : memref<4x8192xf32, #tpu.memory_space<vmem>> -> memref<1x8192xf32, #tpu.memory_space<vmem>>
    %dma_start3A_9 = tpu.memref_squeeze %dma_start3A_8 : memref<1x8192xf32, #tpu.memory_space<vmem>> -> memref<8192xf32, #tpu.memory_space<vmem>>
    %dma_start3A_10 = tpu.memref_slice %arg2[%add3A_5] : memref<33554432xf32, #tpu.memory_space<hbm>> -> memref<8192xf32, #tpu.memory_space<hbm>>
    %dma_start3A_11 = tpu.memref_slice %arg7[%dma_start3A_6] : memref<4x!tpu.dma_semaphore, #tpu.memory_space<semaphore_mem>> -> memref<1x!tpu.dma_semaphore, #tpu.memory_space<semaphore_mem>>
    %dma_start3A_12 = tpu.memref_squeeze %dma_start3A_11 : memref<1x!tpu.dma_semaphore, #tpu.memory_space<semaphore_mem>> -> memref<!tpu.dma_semaphore, #tpu.memory_space<semaphore_mem>>
    %dma_start3A_13 = arith.constant 0 : i32
    %dma_start3A_14 = tpu.memref_slice %arg5[%dma_start3A, %dma_start3A_13] : memref<4x8192xf32, #tpu.memory_space<vmem>> -> memref<1x8192xf32, #tpu.memory_space<vmem>>
    %dma_start3A_15 = tpu.memref_squeeze %dma_start3A_14 : memref<1x8192xf32, #tpu.memory_space<vmem>> -> memref<8192xf32, #tpu.memory_space<vmem>>
    %dma_start3A_16 = tpu.memref_slice %arg2[%add3A_5] : memref<33554432xf32, #tpu.memory_space<hbm>> -> memref<8192xf32, #tpu.memory_space<hbm>>
    tpu.enqueue_dma source(%dma_start3A_16 : memref<8192xf32, #tpu.memory_space<hbm>>) target(%dma_start3A_15 : memref<8192xf32, #tpu.memory_space<vmem>>) target_semaphore(%dma_start3A_12 : memref<!tpu.dma_semaphore, #tpu.memory_space<semaphore_mem>>)
    %add3A_17 = arith.constant 0 : i32
    %add3A_18 = arith.addi %rem3A_3, %add3A_17 : i32
    %dma_start3A_19 = arith.constant 0 : i32
    %dma_start3A_20 = arith.constant 0 : i32
    %dma_start3A_21 = arith.constant 0 : i32
    %dma_start3A_22 = tpu.memref_slice %arg6[%dma_start3A_19, %dma_start3A_21] : memref<4x8192xf32, #tpu.memory_space<vmem>> -> memref<1x8192xf32, #tpu.memory_space<vmem>>
    %dma_start3A_23 = tpu.memref_squeeze %dma_start3A_22 : memref<1x8192xf32, #tpu.memory_space<vmem>> -> memref<8192xf32, #tpu.memory_space<vmem>>
    %dma_start3A_24 = tpu.memref_slice %arg3[%add3A_18] : memref<8388608xf32, #tpu.memory_space<hbm>> -> memref<8192xf32, #tpu.memory_space<hbm>>
    %dma_start3A_25 = tpu.memref_slice %arg8[%dma_start3A_20] : memref<4x!tpu.dma_semaphore, #tpu.memory_space<semaphore_mem>> -> memref<1x!tpu.dma_semaphore, #tpu.memory_space<semaphore_mem>>
    %dma_start3A_26 = tpu.memref_squeeze %dma_start3A_25 : memref<1x!tpu.dma_semaphore, #tpu.memory_space<semaphore_mem>> -> memref<!tpu.dma_semaphore, #tpu.memory_space<semaphore_mem>>
    %dma_start3A_27 = arith.constant 0 : i32
    %dma_start3A_28 = tpu.memref_slice %arg6[%dma_start3A_19, %dma_start3A_27] : memref<4x8192xf32, #tpu.memory_space<vmem>> -> memref<1x8192xf32, #tpu.memory_space<vmem>>
    %dma_start3A_29 = tpu.memref_squeeze %dma_start3A_28 : memref<1x8192xf32, #tpu.memory_space<vmem>> -> memref<8192xf32, #tpu.memory_space<vmem>>
    %dma_start3A_30 = tpu.memref_slice %arg3[%add3A_18] : memref<8388608xf32, #tpu.memory_space<hbm>> -> memref<8192xf32, #tpu.memory_space<hbm>>
    tpu.enqueue_dma source(%dma_start3A_30 : memref<8192xf32, #tpu.memory_space<hbm>>) target(%dma_start3A_29 : memref<8192xf32, #tpu.memory_space<vmem>>) target_semaphore(%dma_start3A_26 : memref<!tpu.dma_semaphore, #tpu.memory_space<semaphore_mem>>)
    %add3A_31 = arith.constant 8192 : i32
    %add3A_32 = arith.addi %mul3A_2, %add3A_31 : i32
    %dma_start3A_33 = arith.constant 1 : i32
    %dma_start3A_34 = arith.constant 1 : i32
    %dma_start3A_35 = arith.constant 0 : i32
    %dma_start3A_36 = tpu.memref_slice %arg5[%dma_start3A_33, %dma_start3A_35] : memref<4x8192xf32, #tpu.memory_space<vmem>> -> memref<1x8192xf32, #tpu.memory_space<vmem>>
    %dma_start3A_37 = tpu.memref_squeeze %dma_start3A_36 : memref<1x8192xf32, #tpu.memory_space<vmem>> -> memref<8192xf32, #tpu.memory_space<vmem>>
    %dma_start3A_38 = tpu.memref_slice %arg2[%add3A_32] : memref<33554432xf32, #tpu.memory_space<hbm>> -> memref<8192xf32, #tpu.memory_space<hbm>>
    %dma_start3A_39 = tpu.memref_slice %arg7[%dma_start3A_34] : memref<4x!tpu.dma_semaphore, #tpu.memory_space<semaphore_mem>> -> memref<1x!tpu.dma_semaphore, #tpu.memory_space<semaphore_mem>>
    %dma_start3A_40 = tpu.memref_squeeze %dma_start3A_39 : memref<1x!tpu.dma_semaphore, #tpu.memory_space<semaphore_mem>> -> memref<!tpu.dma_semaphore, #tpu.memory_space<semaphore_mem>>
    %dma_start3A_41 = arith.constant 0 : i32
    %dma_start3A_42 = tpu.memref_slice %arg5[%dma_start3A_33, %dma_start3A_41] : memref<4x8192xf32, #tpu.memory_space<vmem>> -> memref<1x8192xf32, #tpu.memory_space<vmem>>
    %dma_start3A_43 = tpu.memref_squeeze %dma_start3A_42 : memref<1x8192xf32, #tpu.memory_space<vmem>> -> memref<8192xf32, #tpu.memory_space<vmem>>
    %dma_start3A_44 = tpu.memref_slice %arg2[%add3A_32] : memref<33554432xf32, #tpu.memory_space<hbm>> -> memref<8192xf32, #tpu.memory_space<hbm>>
    tpu.enqueue_dma source(%dma_start3A_44 : memref<8192xf32, #tpu.memory_space<hbm>>) target(%dma_start3A_43 : memref<8192xf32, #tpu.memory_space<vmem>>) target_semaphore(%dma_start3A_40 : memref<!tpu.dma_semaphore, #tpu.memory_space<semaphore_mem>>)
    %add3A_45 = arith.constant 8192 : i32
    %add3A_46 = arith.addi %rem3A_3, %add3A_45 : i32
    %dma_start3A_47 = arith.constant 1 : i32
    %dma_start3A_48 = arith.constant 1 : i32
    %dma_start3A_49 = arith.constant 0 : i32
    %dma_start3A_50 = tpu.memref_slice %arg6[%dma_start3A_47, %dma_start3A_49] : memref<4x8192xf32, #tpu.memory_space<vmem>> -> memref<1x8192xf32, #tpu.memory_space<vmem>>
    %dma_start3A_51 = tpu.memref_squeeze %dma_start3A_50 : memref<1x8192xf32, #tpu.memory_space<vmem>> -> memref<8192xf32, #tpu.memory_space<vmem>>
    %dma_start3A_52 = tpu.memref_slice %arg3[%add3A_46] : memref<8388608xf32, #tpu.memory_space<hbm>> -> memref<8192xf32, #tpu.memory_space<hbm>>
    %dma_start3A_53 = tpu.memref_slice %arg8[%dma_start3A_48] : memref<4x!tpu.dma_semaphore, #tpu.memory_space<semaphore_mem>> -> memref<1x!tpu.dma_semaphore, #tpu.memory_space<semaphore_mem>>
    %dma_start3A_54 = tpu.memref_squeeze %dma_start3A_53 : memref<1x!tpu.dma_semaphore, #tpu.memory_space<semaphore_mem>> -> memref<!tpu.dma_semaphore, #tpu.memory_space<semaphore_mem>>
    %dma_start3A_55 = arith.constant 0 : i32
    %dma_start3A_56 = tpu.memref_slice %arg6[%dma_start3A_47, %dma_start3A_55] : memref<4x8192xf32, #tpu.memory_space<vmem>> -> memref<1x8192xf32, #tpu.memory_space<vmem>>
    %dma_start3A_57 = tpu.memref_squeeze %dma_start3A_56 : memref<1x8192xf32, #tpu.memory_space<vmem>> -> memref<8192xf32, #tpu.memory_space<vmem>>
    %dma_start3A_58 = tpu.memref_slice %arg3[%add3A_46] : memref<8388608xf32, #tpu.memory_space<hbm>> -> memref<8192xf32, #tpu.memory_space<hbm>>
    tpu.enqueue_dma source(%dma_start3A_58 : memref<8192xf32, #tpu.memory_space<hbm>>) target(%dma_start3A_57 : memref<8192xf32, #tpu.memory_space<vmem>>) target_semaphore(%dma_start3A_54 : memref<!tpu.dma_semaphore, #tpu.memory_space<semaphore_mem>>)
    %add3A_59 = arith.constant 16384 : i32
    %add3A_60 = arith.addi %mul3A_2, %add3A_59 : i32
    %dma_start3A_61 = arith.constant 2 : i32
    %dma_start3A_62 = arith.constant 2 : i32
    %dma_start3A_63 = arith.constant 0 : i32
    %dma_start3A_64 = tpu.memref_slice %arg5[%dma_start3A_61, %dma_start3A_63] : memref<4x8192xf32, #tpu.memory_space<vmem>> -> memref<1x8192xf32, #tpu.memory_space<vmem>>
    %dma_start3A_65 = tpu.memref_squeeze %dma_start3A_64 : memref<1x8192xf32, #tpu.memory_space<vmem>> -> memref<8192xf32, #tpu.memory_space<vmem>>
    %dma_start3A_66 = tpu.memref_slice %arg2[%add3A_60] : memref<33554432xf32, #tpu.memory_space<hbm>> -> memref<8192xf32, #tpu.memory_space<hbm>>
    %dma_start3A_67 = tpu.memref_slice %arg7[%dma_start3A_62] : memref<4x!tpu.dma_semaphore, #tpu.memory_space<semaphore_mem>> -> memref<1x!tpu.dma_semaphore, #tpu.memory_space<semaphore_mem>>
    %dma_start3A_68 = tpu.memref_squeeze %dma_start3A_67 : memref<1x!tpu.dma_semaphore, #tpu.memory_space<semaphore_mem>> -> memref<!tpu.dma_semaphore, #tpu.memory_space<semaphore_mem>>
    %dma_start3A_69 = arith.constant 0 : i32
    %dma_start3A_70 = tpu.memref_slice %arg5[%dma_start3A_61, %dma_start3A_69] : memref<4x8192xf32, #tpu.memory_space<vmem>> -> memref<1x8192xf32, #tpu.memory_space<vmem>>
    %dma_start3A_71 = tpu.memref_squeeze %dma_start3A_70 : memref<1x8192xf32, #tpu.memory_space<vmem>> -> memref<8192xf32, #tpu.memory_space<vmem>>
    %dma_start3A_72 = tpu.memref_slice %arg2[%add3A_60] : memref<33554432xf32, #tpu.memory_space<hbm>> -> memref<8192xf32, #tpu.memory_space<hbm>>
    tpu.enqueue_dma source(%dma_start3A_72 : memref<8192xf32, #tpu.memory_space<hbm>>) target(%dma_start3A_71 : memref<8192xf32, #tpu.memory_space<vmem>>) target_semaphore(%dma_start3A_68 : memref<!tpu.dma_semaphore, #tpu.memory_space<semaphore_mem>>)
    %add3A_73 = arith.constant 16384 : i32
    %add3A_74 = arith.addi %rem3A_3, %add3A_73 : i32
    %dma_start3A_75 = arith.constant 2 : i32
    %dma_start3A_76 = arith.constant 2 : i32
    %dma_start3A_77 = arith.constant 0 : i32
    %dma_start3A_78 = tpu.memref_slice %arg6[%dma_start3A_75, %dma_start3A_77] : memref<4x8192xf32, #tpu.memory_space<vmem>> -> memref<1x8192xf32, #tpu.memory_space<vmem>>
    %dma_start3A_79 = tpu.memref_squeeze %dma_start3A_78 : memref<1x8192xf32, #tpu.memory_space<vmem>> -> memref<8192xf32, #tpu.memory_space<vmem>>
    %dma_start3A_80 = tpu.memref_slice %arg3[%add3A_74] : memref<8388608xf32, #tpu.memory_space<hbm>> -> memref<8192xf32, #tpu.memory_space<hbm>>
    %dma_start3A_81 = tpu.memref_slice %arg8[%dma_start3A_76] : memref<4x!tpu.dma_semaphore, #tpu.memory_space<semaphore_mem>> -> memref<1x!tpu.dma_semaphore, #tpu.memory_space<semaphore_mem>>
    %dma_start3A_82 = tpu.memref_squeeze %dma_start3A_81 : memref<1x!tpu.dma_semaphore, #tpu.memory_space<semaphore_mem>> -> memref<!tpu.dma_semaphore, #tpu.memory_space<semaphore_mem>>
    %dma_start3A_83 = arith.constant 0 : i32
    %dma_start3A_84 = tpu.memref_slice %arg6[%dma_start3A_75, %dma_start3A_83] : memref<4x8192xf32, #tpu.memory_space<vmem>> -> memref<1x8192xf32, #tpu.memory_space<vmem>>
    %dma_start3A_85 = tpu.memref_squeeze %dma_start3A_84 : memref<1x8192xf32, #tpu.memory_space<vmem>> -> memref<8192xf32, #tpu.memory_space<vmem>>
    %dma_start3A_86 = tpu.memref_slice %arg3[%add3A_74] : memref<8388608xf32, #tpu.memory_space<hbm>> -> memref<8192xf32, #tpu.memory_space<hbm>>
    tpu.enqueue_dma source(%dma_start3A_86 : memref<8192xf32, #tpu.memory_space<hbm>>) target(%dma_start3A_85 : memref<8192xf32, #tpu.memory_space<vmem>>) target_semaphore(%dma_start3A_82 : memref<!tpu.dma_semaphore, #tpu.memory_space<semaphore_mem>>)
    %scan3A = arith.constant 0 : i32
    %scan3A_87 = arith.constant 0 : i32
    %scan3A_88 = arith.constant 32 : i32
    %scan3A_89 = arith.addi %scan3A_87, %scan3A_88 : i32
    %scan3A_90 = arith.constant 1 : i32
    scf.for %scan3A_105 = %scan3A_87 to %scan3A_89 step %scan3A_90  : i32 {
      %mul3A_106 = arith.constant 4 : i32
      %mul3A_107 = arith.muli %scan3A_105, %mul3A_106 : i32
      %add3A_108 = arith.constant 0 : i32
      %add3A_109 = arith.addi %mul3A_107, %add3A_108 : i32
      %mul3A_110 = arith.constant 8192 : i32
      %mul3A_111 = arith.muli %add3A_109, %mul3A_110 : i32
      %add3A_112 = arith.addi %mul3A_2, %mul3A_111 : i32
      %dma_wait3A_113 = arith.constant 0 : i32
      %dma_wait3A_114 = arith.constant 0 : i32
      %dma_wait3A_115 = arith.constant 0 : i32
      %dma_wait3A_116 = tpu.memref_slice %arg5[%dma_wait3A_113, %dma_wait3A_115] : memref<4x8192xf32, #tpu.memory_space<vmem>> -> memref<1x8192xf32, #tpu.memory_space<vmem>>
      %dma_wait3A_117 = tpu.memref_squeeze %dma_wait3A_116 : memref<1x8192xf32, #tpu.memory_space<vmem>> -> memref<8192xf32, #tpu.memory_space<vmem>>
      %dma_wait3A_118 = tpu.memref_slice %arg2[%add3A_112] : memref<33554432xf32, #tpu.memory_space<hbm>> -> memref<8192xf32, #tpu.memory_space<hbm>>
      %dma_wait3A_119 = tpu.memref_slice %arg7[%dma_wait3A_114] : memref<4x!tpu.dma_semaphore, #tpu.memory_space<semaphore_mem>> -> memref<1x!tpu.dma_semaphore, #tpu.memory_space<semaphore_mem>>
      %dma_wait3A_120 = tpu.memref_squeeze %dma_wait3A_119 : memref<1x!tpu.dma_semaphore, #tpu.memory_space<semaphore_mem>> -> memref<!tpu.dma_semaphore, #tpu.memory_space<semaphore_mem>>
      %dma_wait3A_121 = arith.constant 0 : i32
      %dma_wait3A_122 = tpu.memref_slice %arg5[%dma_wait3A_113, %dma_wait3A_121] : memref<4x8192xf32, #tpu.memory_space<vmem>> -> memref<1x8192xf32, #tpu.memory_space<vmem>>
      %dma_wait3A_123 = tpu.memref_squeeze %dma_wait3A_122 : memref<1x8192xf32, #tpu.memory_space<vmem>> -> memref<8192xf32, #tpu.memory_space<vmem>>
      %dma_wait3A_124 = tpu.memref_slice %arg2[%add3A_112] : memref<33554432xf32, #tpu.memory_space<hbm>> -> memref<8192xf32, #tpu.memory_space<hbm>>
      tpu.wait_dma2 semaphore(%dma_wait3A_120 : memref<!tpu.dma_semaphore, #tpu.memory_space<semaphore_mem>>) src(%dma_wait3A_124 : memref<8192xf32, #tpu.memory_space<hbm>>) dst(%dma_wait3A_123 : memref<8192xf32, #tpu.memory_space<vmem>>)
      %mul3A_125 = arith.constant 8192 : i32
      %mul3A_126 = arith.muli %add3A_109, %mul3A_125 : i32
      %add3A_127 = arith.addi %rem3A_3, %mul3A_126 : i32
      %dma_wait3A_128 = arith.constant 0 : i32
      %dma_wait3A_129 = arith.constant 0 : i32
      %dma_wait3A_130 = arith.constant 0 : i32
      %dma_wait3A_131 = tpu.memref_slice %arg6[%dma_wait3A_128, %dma_wait3A_130] : memref<4x8192xf32, #tpu.memory_space<vmem>> -> memref<1x8192xf32, #tpu.memory_space<vmem>>
      %dma_wait3A_132 = tpu.memref_squeeze %dma_wait3A_131 : memref<1x8192xf32, #tpu.memory_space<vmem>> -> memref<8192xf32, #tpu.memory_space<vmem>>
      %dma_wait3A_133 = tpu.memref_slice %arg3[%add3A_127] : memref<8388608xf32, #tpu.memory_space<hbm>> -> memref<8192xf32, #tpu.memory_space<hbm>>
      %dma_wait3A_134 = tpu.memref_slice %arg8[%dma_wait3A_129] : memref<4x!tpu.dma_semaphore, #tpu.memory_space<semaphore_mem>> -> memref<1x!tpu.dma_semaphore, #tpu.memory_space<semaphore_mem>>
      %dma_wait3A_135 = tpu.memref_squeeze %dma_wait3A_134 : memref<1x!tpu.dma_semaphore, #tpu.memory_space<semaphore_mem>> -> memref<!tpu.dma_semaphore, #tpu.memory_space<semaphore_mem>>
      %dma_wait3A_136 = arith.constant 0 : i32
      %dma_wait3A_137 = tpu.memref_slice %arg6[%dma_wait3A_128, %dma_wait3A_136] : memref<4x8192xf32, #tpu.memory_space<vmem>> -> memref<1x8192xf32, #tpu.memory_space<vmem>>
      %dma_wait3A_138 = tpu.memref_squeeze %dma_wait3A_137 : memref<1x8192xf32, #tpu.memory_space<vmem>> -> memref<8192xf32, #tpu.memory_space<vmem>>
      %dma_wait3A_139 = tpu.memref_slice %arg3[%add3A_127] : memref<8388608xf32, #tpu.memory_space<hbm>> -> memref<8192xf32, #tpu.memory_space<hbm>>
      tpu.wait_dma2 semaphore(%dma_wait3A_135 : memref<!tpu.dma_semaphore, #tpu.memory_space<semaphore_mem>>) src(%dma_wait3A_139 : memref<8192xf32, #tpu.memory_space<hbm>>) dst(%dma_wait3A_138 : memref<8192xf32, #tpu.memory_space<vmem>>)
      %scan3A_140 = arith.constant 0 : i32
      %scan3A_141 = arith.constant 0 : i32
      %scan3A_142 = arith.constant 128 : i32
      %scan3A_143 = arith.addi %scan3A_141, %scan3A_142 : i32
      %scan3A_144 = arith.constant 1 : i32
      scf.for %scan3A_377 = %scan3A_141 to %scan3A_143 step %scan3A_144  : i32 {
        %mul3A_378 = arith.constant 64 : i32
        %mul3A_379 = arith.muli %scan3A_377, %mul3A_378 : i32
        %add3A_380 = arith.constant 0 : i32
        %add3A_381 = arith.addi %mul3A_379, %add3A_380 : i32
        %get3A = arith.constant 0 : i32
        %get3A_382 = arith.index_cast %get3A : i32 to index
        %get3A_383 = arith.index_cast %add3A_381 : i32 to index
        %get3A_384 = tpu.vector_load %arg5[%get3A_382, %get3A_383] {strides = array<i32>} : memref<4x8192xf32, #tpu.memory_space<vmem>>, vector<1x16xf32>,
        %get3A_385 = vector.shape_cast %get3A_384 : vector<1x16xf32> to vector<16xf32>
        %get3A_386 = arith.constant 0 : i32
        %get3A_387 = arith.index_cast %get3A_386 : i32 to index
        %get3A_388 = arith.index_cast %add3A_381 : i32 to index
        %get3A_389 = tpu.vector_load %arg6[%get3A_387, %get3A_388] {strides = array<i32>} : memref<4x8192xf32, #tpu.memory_space<vmem>>, vector<1x16xf32>,
        %get3A_390 = vector.shape_cast %get3A_389 : vector<1x16xf32> to vector<16xf32>
        %add3A_391 = arith.addf %get3A_385, %get3A_390 : vector<16xf32>
        %swap3A = arith.constant 0 : i32
        %swap3A_392 = arith.index_cast %swap3A : i32 to index
        %swap3A_393 = arith.index_cast %add3A_381 : i32 to index
        %swap3A_394 = tpu.vector_load %arg5[%swap3A_392, %swap3A_393] {strides = array<i32>} : memref<4x8192xf32, #tpu.memory_space<vmem>>, vector<1x16xf32>,
        %swap3A_395 = vector.shape_cast %swap3A_394 : vector<1x16xf32> to vector<16xf32>
        %swap3A_396 = vector.shape_cast %add3A_391 : vector<16xf32> to vector<1x16xf32>
        tpu.vector_store %arg5[%swap3A_392, %swap3A_393], %swap3A_396 {strides = array<i32>} : memref<4x8192xf32, #tpu.memory_space<vmem>>, vector<1x16xf32>,
        %mul3A_397 = arith.constant 64 : i32
        %mul3A_398 = arith.muli %scan3A_377, %mul3A_397 : i32
        %add3A_399 = arith.constant 16 : i32
        %add3A_400 = arith.addi %mul3A_398, %add3A_399 : i32
        %get3A_401 = arith.constant 0 : i32
        %get3A_402 = arith.index_cast %get3A_401 : i32 to index
        %get3A_403 = arith.index_cast %add3A_400 : i32 to index
        %get3A_404 = tpu.vector_load %arg5[%get3A_402, %get3A_403] {strides = array<i32>} : memref<4x8192xf32, #tpu.memory_space<vmem>>, vector<1x16xf32>,
        %get3A_405 = vector.shape_cast %get3A_404 : vector<1x16xf32> to vector<16xf32>
        %get3A_406 = arith.constant 0 : i32
        %get3A_407 = arith.index_cast %get3A_406 : i32 to index
        %get3A_408 = arith.index_cast %add3A_400 : i32 to index
        %get3A_409 = tpu.vector_load %arg6[%get3A_407, %get3A_408] {strides = array<i32>} : memref<4x8192xf32, #tpu.memory_space<vmem>>, vector<1x16xf32>,
        %get3A_410 = vector.shape_cast %get3A_409 : vector<1x16xf32> to vector<16xf32>
        %add3A_411 = arith.addf %get3A_405, %get3A_410 : vector<16xf32>
        %swap3A_412 = arith.constant 0 : i32
        %swap3A_413 = arith.index_cast %swap3A_412 : i32 to index
        %swap3A_414 = arith.index_cast %add3A_400 : i32 to index
        %swap3A_415 = tpu.vector_load %arg5[%swap3A_413, %swap3A_414] {strides = array<i32>} : memref<4x8192xf32, #tpu.memory_space<vmem>>, vector<1x16xf32>,
        %swap3A_416 = vector.shape_cast %swap3A_415 : vector<1x16xf32> to vector<16xf32>
        %swap3A_417 = vector.shape_cast %add3A_411 : vector<16xf32> to vector<1x16xf32>
        tpu.vector_store %arg5[%swap3A_413, %swap3A_414], %swap3A_417 {strides = array<i32>} : memref<4x8192xf32, #tpu.memory_space<vmem>>, vector<1x16xf32>,
        %mul3A_418 = arith.constant 64 : i32
        %mul3A_419 = arith.muli %scan3A_377, %mul3A_418 : i32
        %add3A_420 = arith.constant 32 : i32
        %add3A_421 = arith.addi %mul3A_419, %add3A_420 : i32
        %get3A_422 = arith.constant 0 : i32
        %get3A_423 = arith.index_cast %get3A_422 : i32 to index
        %get3A_424 = arith.index_cast %add3A_421 : i32 to index
        %get3A_425 = tpu.vector_load %arg5[%get3A_423, %get3A_424] {strides = array<i32>} : memref<4x8192xf32, #tpu.memory_space<vmem>>, vector<1x16xf32>,
        %get3A_426 = vector.shape_cast %get3A_425 : vector<1x16xf32> to vector<16xf32>
        %get3A_427 = arith.constant 0 : i32
        %get3A_428 = arith.index_cast %get3A_427 : i32 to index
        %get3A_429 = arith.index_cast %add3A_421 : i32 to index
        %get3A_430 = tpu.vector_load %arg6[%get3A_428, %get3A_429] {strides = array<i32>} : memref<4x8192xf32, #tpu.memory_space<vmem>>, vector<1x16xf32>,
        %get3A_431 = vector.shape_cast %get3A_430 : vector<1x16xf32> to vector<16xf32>
        %add3A_432 = arith.addf %get3A_426, %get3A_431 : vector<16xf32>
        %swap3A_433 = arith.constant 0 : i32
        %swap3A_434 = arith.index_cast %swap3A_433 : i32 to index
        %swap3A_435 = arith.index_cast %add3A_421 : i32 to index
        %swap3A_436 = tpu.vector_load %arg5[%swap3A_434, %swap3A_435] {strides = array<i32>} : memref<4x8192xf32, #tpu.memory_space<vmem>>, vector<1x16xf32>,
        %swap3A_437 = vector.shape_cast %swap3A_436 : vector<1x16xf32> to vector<16xf32>
        %swap3A_438 = vector.shape_cast %add3A_432 : vector<16xf32> to vector<1x16xf32>
        tpu.vector_store %arg5[%swap3A_434, %swap3A_435], %swap3A_438 {strides = array<i32>} : memref<4x8192xf32, #tpu.memory_space<vmem>>, vector<1x16xf32>,
        %mul3A_439 = arith.constant 64 : i32
        %mul3A_440 = arith.muli %scan3A_377, %mul3A_439 : i32
        %add3A_441 = arith.constant 48 : i32
        %add3A_442 = arith.addi %mul3A_440, %add3A_441 : i32
        %get3A_443 = arith.constant 0 : i32
        %get3A_444 = arith.index_cast %get3A_443 : i32 to index
        %get3A_445 = arith.index_cast %add3A_442 : i32 to index
        %get3A_446 = tpu.vector_load %arg5[%get3A_444, %get3A_445] {strides = array<i32>} : memref<4x8192xf32, #tpu.memory_space<vmem>>, vector<1x16xf32>,
        %get3A_447 = vector.shape_cast %get3A_446 : vector<1x16xf32> to vector<16xf32>
        %get3A_448 = arith.constant 0 : i32
        %get3A_449 = arith.index_cast %get3A_448 : i32 to index
        %get3A_450 = arith.index_cast %add3A_442 : i32 to index
        %get3A_451 = tpu.vector_load %arg6[%get3A_449, %get3A_450] {strides = array<i32>} : memref<4x8192xf32, #tpu.memory_space<vmem>>, vector<1x16xf32>,
        %get3A_452 = vector.shape_cast %get3A_451 : vector<1x16xf32> to vector<16xf32>
        %add3A_453 = arith.addf %get3A_447, %get3A_452 : vector<16xf32>
        %swap3A_454 = arith.constant 0 : i32
        %swap3A_455 = arith.index_cast %swap3A_454 : i32 to index
        %swap3A_456 = arith.index_cast %add3A_442 : i32 to index
        %swap3A_457 = tpu.vector_load %arg5[%swap3A_455, %swap3A_456] {strides = array<i32>} : memref<4x8192xf32, #tpu.memory_space<vmem>>, vector<1x16xf32>,
        %swap3A_458 = vector.shape_cast %swap3A_457 : vector<1x16xf32> to vector<16xf32>
        %swap3A_459 = vector.shape_cast %add3A_453 : vector<16xf32> to vector<1x16xf32>
        tpu.vector_store %arg5[%swap3A_455, %swap3A_456], %swap3A_459 {strides = array<i32>} : memref<4x8192xf32, #tpu.memory_space<vmem>>, vector<1x16xf32>,
      }
      %scan3A_145 = arith.constant 128 : i32
      %dma_start3A_146 = arith.constant 0 : i32
      %dma_start3A_147 = arith.constant 0 : i32
      %dma_start3A_148 = arith.constant 0 : i32
      %dma_start3A_149 = tpu.memref_slice %arg5[%dma_start3A_146, %dma_start3A_148] : memref<4x8192xf32, #tpu.memory_space<vmem>> -> memref<1x8192xf32, #tpu.memory_space<vmem>>
      %dma_start3A_150 = tpu.memref_squeeze %dma_start3A_149 : memref<1x8192xf32, #tpu.memory_space<vmem>> -> memref<8192xf32, #tpu.memory_space<vmem>>
      %dma_start3A_151 = tpu.memref_slice %arg4[%add3A_112] : memref<33554432xf32, #tpu.memory_space<hbm>> -> memref<8192xf32, #tpu.memory_space<hbm>>
      %dma_start3A_152 = tpu.memref_slice %arg9[%dma_start3A_147] : memref<4x!tpu.dma_semaphore, #tpu.memory_space<semaphore_mem>> -> memref<1x!tpu.dma_semaphore, #tpu.memory_space<semaphore_mem>>
      %dma_start3A_153 = tpu.memref_squeeze %dma_start3A_152 : memref<1x!tpu.dma_semaphore, #tpu.memory_space<semaphore_mem>> -> memref<!tpu.dma_semaphore, #tpu.memory_space<semaphore_mem>>
      %dma_start3A_154 = tpu.memref_slice %arg4[%add3A_112] : memref<33554432xf32, #tpu.memory_space<hbm>> -> memref<8192xf32, #tpu.memory_space<hbm>>
      %dma_start3A_155 = arith.constant 0 : i32
      %dma_start3A_156 = tpu.memref_slice %arg5[%dma_start3A_146, %dma_start3A_155] : memref<4x8192xf32, #tpu.memory_space<vmem>> -> memref<1x8192xf32, #tpu.memory_space<vmem>>
      %dma_start3A_157 = tpu.memref_squeeze %dma_start3A_156 : memref<1x8192xf32, #tpu.memory_space<vmem>> -> memref<8192xf32, #tpu.memory_space<vmem>>
      tpu.enqueue_dma source(%dma_start3A_157 : memref<8192xf32, #tpu.memory_space<vmem>>) target(%dma_start3A_154 : memref<8192xf32, #tpu.memory_space<hbm>>) target_semaphore(%dma_start3A_153 : memref<!tpu.dma_semaphore, #tpu.memory_space<semaphore_mem>>)
      %sub3A = arith.constant 1 : i32
      %sub3A_158 = arith.subi %add3A_109, %sub3A : i32
      %mul3A_159 = arith.constant 8192 : i32
      %mul3A_160 = arith.muli %sub3A_158, %mul3A_159 : i32
      %add3A_161 = arith.addi %mul3A_2, %mul3A_160 : i32
      %ge3A = arith.constant 1 : i32
      %ge3A_162 = arith.cmpi sge, %add3A_109, %ge3A : i32
      %convert_element_type3A = arith.extui %ge3A_162 : i1 to i32
      %cond3A = arith.constant 0 : i32
      %cond3A_163 = arith.cmpi ne, %convert_element_type3A, %cond3A : i32
      scf.if %cond3A_163 {
        %dma_wait3A_377 = arith.constant 3 : i32
        %dma_wait3A_378 = arith.constant 3 : i32
        %dma_wait3A_379 = arith.constant 0 : i32
        %dma_wait3A_380 = tpu.memref_slice %arg5[%dma_wait3A_377, %dma_wait3A_379] : memref<4x8192xf32, #tpu.memory_space<vmem>> -> memref<1x8192xf32, #tpu.memory_space<vmem>>
        %dma_wait3A_381 = tpu.memref_squeeze %dma_wait3A_380 : memref<1x8192xf32, #tpu.memory_space<vmem>> -> memref<8192xf32, #tpu.memory_space<vmem>>
        %dma_wait3A_382 = tpu.memref_slice %arg4[%add3A_161] : memref<33554432xf32, #tpu.memory_space<hbm>> -> memref<8192xf32, #tpu.memory_space<hbm>>
        %dma_wait3A_383 = tpu.memref_slice %arg9[%dma_wait3A_378] : memref<4x!tpu.dma_semaphore, #tpu.memory_space<semaphore_mem>> -> memref<1x!tpu.dma_semaphore, #tpu.memory_space<semaphore_mem>>
        %dma_wait3A_384 = tpu.memref_squeeze %dma_wait3A_383 : memref<1x!tpu.dma_semaphore, #tpu.memory_space<semaphore_mem>> -> memref<!tpu.dma_semaphore, #tpu.memory_space<semaphore_mem>>
        %dma_wait3A_385 = tpu.memref_slice %arg4[%add3A_161] : memref<33554432xf32, #tpu.memory_space<hbm>> -> memref<8192xf32, #tpu.memory_space<hbm>>
        %dma_wait3A_386 = arith.constant 0 : i32
        %dma_wait3A_387 = tpu.memref_slice %arg5[%dma_wait3A_377, %dma_wait3A_386] : memref<4x8192xf32, #tpu.memory_space<vmem>> -> memref<1x8192xf32, #tpu.memory_space<vmem>>
        %dma_wait3A_388 = tpu.memref_squeeze %dma_wait3A_387 : memref<1x8192xf32, #tpu.memory_space<vmem>> -> memref<8192xf32, #tpu.memory_space<vmem>>
        tpu.wait_dma2 semaphore(%dma_wait3A_384 : memref<!tpu.dma_semaphore, #tpu.memory_space<semaphore_mem>>) src(%dma_wait3A_388 : memref<8192xf32, #tpu.memory_space<vmem>>) dst(%dma_wait3A_385 : memref<8192xf32, #tpu.memory_space<hbm>>)
      } else {
      }
      %add3A_164 = arith.constant 3 : i32
      %add3A_165 = arith.addi %add3A_109, %add3A_164 : i32
      %lt3A = arith.constant 128 : i32
      %lt3A_166 = arith.cmpi slt, %add3A_165, %lt3A : i32
      %convert_element_type3A_167 = arith.extui %lt3A_166 : i1 to i32
      %cond3A_168 = arith.constant 0 : i32
      %cond3A_169 = arith.cmpi ne, %convert_element_type3A_167, %cond3A_168 : i32
      scf.if %cond3A_169 {
        %add3A_377 = arith.constant 3 : i32
        %add3A_378 = arith.addi %add3A_109, %add3A_377 : i32
        %mul3A_379 = arith.constant 8192 : i32
        %mul3A_380 = arith.muli %add3A_378, %mul3A_379 : i32
        %add3A_381 = arith.addi %mul3A_2, %mul3A_380 : i32
        %dma_start3A_382 = arith.constant 3 : i32
        %dma_start3A_383 = arith.constant 3 : i32
        %dma_start3A_384 = arith.constant 0 : i32
        %dma_start3A_385 = tpu.memref_slice %arg5[%dma_start3A_382, %dma_start3A_384] : memref<4x8192xf32, #tpu.memory_space<vmem>> -> memref<1x8192xf32, #tpu.memory_space<vmem>>
        %dma_start3A_386 = tpu.memref_squeeze %dma_start3A_385 : memref<1x8192xf32, #tpu.memory_space<vmem>> -> memref<8192xf32, #tpu.memory_space<vmem>>
        %dma_start3A_387 = tpu.memref_slice %arg2[%add3A_381] : memref<33554432xf32, #tpu.memory_space<hbm>> -> memref<8192xf32, #tpu.memory_space<hbm>>
        %dma_start3A_388 = tpu.memref_slice %arg7[%dma_start3A_383] : memref<4x!tpu.dma_semaphore, #tpu.memory_space<semaphore_mem>> -> memref<1x!tpu.dma_semaphore, #tpu.memory_space<semaphore_mem>>
        %dma_start3A_389 = tpu.memref_squeeze %dma_start3A_388 : memref<1x!tpu.dma_semaphore, #tpu.memory_space<semaphore_mem>> -> memref<!tpu.dma_semaphore, #tpu.memory_space<semaphore_mem>>
        %dma_start3A_390 = arith.constant 0 : i32
        %dma_start3A_391 = tpu.memref_slice %arg5[%dma_start3A_382, %dma_start3A_390] : memref<4x8192xf32, #tpu.memory_space<vmem>> -> memref<1x8192xf32, #tpu.memory_space<vmem>>
        %dma_start3A_392 = tpu.memref_squeeze %dma_start3A_391 : memref<1x8192xf32, #tpu.memory_space<vmem>> -> memref<8192xf32, #tpu.memory_space<vmem>>
        %dma_start3A_393 = tpu.memref_slice %arg2[%add3A_381] : memref<33554432xf32, #tpu.memory_space<hbm>> -> memref<8192xf32, #tpu.memory_space<hbm>>
        tpu.enqueue_dma source(%dma_start3A_393 : memref<8192xf32, #tpu.memory_space<hbm>>) target(%dma_start3A_392 : memref<8192xf32, #tpu.memory_space<vmem>>) target_semaphore(%dma_start3A_389 : memref<!tpu.dma_semaphore, #tpu.memory_space<semaphore_mem>>)
        %mul3A_394 = arith.constant 8192 : i32
        %mul3A_395 = arith.muli %add3A_378, %mul3A_394 : i32
        %add3A_396 = arith.addi %rem3A_3, %mul3A_395 : i32
        %dma_start3A_397 = arith.constant 3 : i32
        %dma_start3A_398 = arith.constant 3 : i32
        %dma_start3A_399 = arith.constant 0 : i32
        %dma_start3A_400 = tpu.memref_slice %arg6[%dma_start3A_397, %dma_start3A_399] : memref<4x8192xf32, #tpu.memory_space<vmem>> -> memref<1x8192xf32, #tpu.memory_space<vmem>>
        %dma_start3A_401 = tpu.memref_squeeze %dma_start3A_400 : memref<1x8192xf32, #tpu.memory_space<vmem>> -> memref<8192xf32, #tpu.memory_space<vmem>>
        %dma_start3A_402 = tpu.memref_slice %arg3[%add3A_396] : memref<8388608xf32, #tpu.memory_space<hbm>> -> memref<8192xf32, #tpu.memory_space<hbm>>
        %dma_start3A_403 = tpu.memref_slice %arg8[%dma_start3A_398] : memref<4x!tpu.dma_semaphore, #tpu.memory_space<semaphore_mem>> -> memref<1x!tpu.dma_semaphore, #tpu.memory_space<semaphore_mem>>
        %dma_start3A_404 = tpu.memref_squeeze %dma_start3A_403 : memref<1x!tpu.dma_semaphore, #tpu.memory_space<semaphore_mem>> -> memref<!tpu.dma_semaphore, #tpu.memory_space<semaphore_mem>>
        %dma_start3A_405 = arith.constant 0 : i32
        %dma_start3A_406 = tpu.memref_slice %arg6[%dma_start3A_397, %dma_start3A_405] : memref<4x8192xf32, #tpu.memory_space<vmem>> -> memref<1x8192xf32, #tpu.memory_space<vmem>>
        %dma_start3A_407 = tpu.memref_squeeze %dma_start3A_406 : memref<1x8192xf32, #tpu.memory_space<vmem>> -> memref<8192xf32, #tpu.memory_space<vmem>>
        %dma_start3A_408 = tpu.memref_slice %arg3[%add3A_396] : memref<8388608xf32, #tpu.memory_space<hbm>> -> memref<8192xf32, #tpu.memory_space<hbm>>
        tpu.enqueue_dma source(%dma_start3A_408 : memref<8192xf32, #tpu.memory_space<hbm>>) target(%dma_start3A_407 : memref<8192xf32, #tpu.memory_space<vmem>>) target_semaphore(%dma_start3A_404 : memref<!tpu.dma_semaphore, #tpu.memory_space<semaphore_mem>>)
      } else {
      }
      %mul3A_170 = arith.constant 4 : i32
      %mul3A_171 = arith.muli %scan3A_105, %mul3A_170 : i32
      %add3A_172 = arith.constant 1 : i32
      %add3A_173 = arith.addi %mul3A_171, %add3A_172 : i32
      %mul3A_174 = arith.constant 8192 : i32
      %mul3A_175 = arith.muli %add3A_173, %mul3A_174 : i32
      %add3A_176 = arith.addi %mul3A_2, %mul3A_175 : i32
      %dma_wait3A_177 = arith.constant 1 : i32
      %dma_wait3A_178 = arith.constant 1 : i32
      %dma_wait3A_179 = arith.constant 0 : i32
      %dma_wait3A_180 = tpu.memref_slice %arg5[%dma_wait3A_177, %dma_wait3A_179] : memref<4x8192xf32, #tpu.memory_space<vmem>> -> memref<1x8192xf32, #tpu.memory_space<vmem>>
      %dma_wait3A_181 = tpu.memref_squeeze %dma_wait3A_180 : memref<1x8192xf32, #tpu.memory_space<vmem>> -> memref<8192xf32, #tpu.memory_space<vmem>>
      %dma_wait3A_182 = tpu.memref_slice %arg2[%add3A_176] : memref<33554432xf32, #tpu.memory_space<hbm>> -> memref<8192xf32, #tpu.memory_space<hbm>>
      %dma_wait3A_183 = tpu.memref_slice %arg7[%dma_wait3A_178] : memref<4x!tpu.dma_semaphore, #tpu.memory_space<semaphore_mem>> -> memref<1x!tpu.dma_semaphore, #tpu.memory_space<semaphore_mem>>
      %dma_wait3A_184 = tpu.memref_squeeze %dma_wait3A_183 : memref<1x!tpu.dma_semaphore, #tpu.memory_space<semaphore_mem>> -> memref<!tpu.dma_semaphore, #tpu.memory_space<semaphore_mem>>
      %dma_wait3A_185 = arith.constant 0 : i32
      %dma_wait3A_186 = tpu.memref_slice %arg5[%dma_wait3A_177, %dma_wait3A_185] : memref<4x8192xf32, #tpu.memory_space<vmem>> -> memref<1x8192xf32, #tpu.memory_space<vmem>>
      %dma_wait3A_187 = tpu.memref_squeeze %dma_wait3A_186 : memref<1x8192xf32, #tpu.memory_space<vmem>> -> memref<8192xf32, #tpu.memory_space<vmem>>
      %dma_wait3A_188 = tpu.memref_slice %arg2[%add3A_176] : memref<33554432xf32, #tpu.memory_space<hbm>> -> memref<8192xf32, #tpu.memory_space<hbm>>
      tpu.wait_dma2 semaphore(%dma_wait3A_184 : memref<!tpu.dma_semaphore, #tpu.memory_space<semaphore_mem>>) src(%dma_wait3A_188 : memref<8192xf32, #tpu.memory_space<hbm>>) dst(%dma_wait3A_187 : memref<8192xf32, #tpu.memory_space<vmem>>)
      %mul3A_189 = arith.constant 8192 : i32
      %mul3A_190 = arith.muli %add3A_173, %mul3A_189 : i32
      %add3A_191 = arith.addi %rem3A_3, %mul3A_190 : i32
      %dma_wait3A_192 = arith.constant 1 : i32
      %dma_wait3A_193 = arith.constant 1 : i32
      %dma_wait3A_194 = arith.constant 0 : i32
      %dma_wait3A_195 = tpu.memref_slice %arg6[%dma_wait3A_192, %dma_wait3A_194] : memref<4x8192xf32, #tpu.memory_space<vmem>> -> memref<1x8192xf32, #tpu.memory_space<vmem>>
      %dma_wait3A_196 = tpu.memref_squeeze %dma_wait3A_195 : memref<1x8192xf32, #tpu.memory_space<vmem>> -> memref<8192xf32, #tpu.memory_space<vmem>>
      %dma_wait3A_197 = tpu.memref_slice %arg3[%add3A_191] : memref<8388608xf32, #tpu.memory_space<hbm>> -> memref<8192xf32, #tpu.memory_space<hbm>>
      %dma_wait3A_198 = tpu.memref_slice %arg8[%dma_wait3A_193] : memref<4x!tpu.dma_semaphore, #tpu.memory_space<semaphore_mem>> -> memref<1x!tpu.dma_semaphore, #tpu.memory_space<semaphore_mem>>
      %dma_wait3A_199 = tpu.memref_squeeze %dma_wait3A_198 : memref<1x!tpu.dma_semaphore, #tpu.memory_space<semaphore_mem>> -> memref<!tpu.dma_semaphore, #tpu.memory_space<semaphore_mem>>
      %dma_wait3A_200 = arith.constant 0 : i32
      %dma_wait3A_201 = tpu.memref_slice %arg6[%dma_wait3A_192, %dma_wait3A_200] : memref<4x8192xf32, #tpu.memory_space<vmem>> -> memref<1x8192xf32, #tpu.memory_space<vmem>>
      %dma_wait3A_202 = tpu.memref_squeeze %dma_wait3A_201 : memref<1x8192xf32, #tpu.memory_space<vmem>> -> memref<8192xf32, #tpu.memory_space<vmem>>
      %dma_wait3A_203 = tpu.memref_slice %arg3[%add3A_191] : memref<8388608xf32, #tpu.memory_space<hbm>> -> memref<8192xf32, #tpu.memory_space<hbm>>
      tpu.wait_dma2 semaphore(%dma_wait3A_199 : memref<!tpu.dma_semaphore, #tpu.memory_space<semaphore_mem>>) src(%dma_wait3A_203 : memref<8192xf32, #tpu.memory_space<hbm>>) dst(%dma_wait3A_202 : memref<8192xf32, #tpu.memory_space<vmem>>)
      %scan3A_204 = arith.constant 0 : i32
      %scan3A_205 = arith.constant 0 : i32
      %scan3A_206 = arith.constant 128 : i32
      %scan3A_207 = arith.addi %scan3A_205, %scan3A_206 : i32
      %scan3A_208 = arith.constant 1 : i32
      scf.for %scan3A_377 = %scan3A_205 to %scan3A_207 step %scan3A_208  : i32 {
        %mul3A_378 = arith.constant 64 : i32
        %mul3A_379 = arith.muli %scan3A_377, %mul3A_378 : i32
        %add3A_380 = arith.constant 0 : i32
        %add3A_381 = arith.addi %mul3A_379, %add3A_380 : i32
        %get3A = arith.constant 1 : i32
        %get3A_382 = arith.index_cast %get3A : i32 to index
        %get3A_383 = arith.index_cast %add3A_381 : i32 to index
        %get3A_384 = tpu.vector_load %arg5[%get3A_382, %get3A_383] {strides = array<i32>} : memref<4x8192xf32, #tpu.memory_space<vmem>>, vector<1x16xf32>,
        %get3A_385 = vector.shape_cast %get3A_384 : vector<1x16xf32> to vector<16xf32>
        %get3A_386 = arith.constant 1 : i32
        %get3A_387 = arith.index_cast %get3A_386 : i32 to index
        %get3A_388 = arith.index_cast %add3A_381 : i32 to index
        %get3A_389 = tpu.vector_load %arg6[%get3A_387, %get3A_388] {strides = array<i32>} : memref<4x8192xf32, #tpu.memory_space<vmem>>, vector<1x16xf32>,
        %get3A_390 = vector.shape_cast %get3A_389 : vector<1x16xf32> to vector<16xf32>
        %add3A_391 = arith.addf %get3A_385, %get3A_390 : vector<16xf32>
        %swap3A = arith.constant 1 : i32
        %swap3A_392 = arith.index_cast %swap3A : i32 to index
        %swap3A_393 = arith.index_cast %add3A_381 : i32 to index
        %swap3A_394 = tpu.vector_load %arg5[%swap3A_392, %swap3A_393] {strides = array<i32>} : memref<4x8192xf32, #tpu.memory_space<vmem>>, vector<1x16xf32>,
        %swap3A_395 = vector.shape_cast %swap3A_394 : vector<1x16xf32> to vector<16xf32>
        %swap3A_396 = vector.shape_cast %add3A_391 : vector<16xf32> to vector<1x16xf32>
        tpu.vector_store %arg5[%swap3A_392, %swap3A_393], %swap3A_396 {strides = array<i32>} : memref<4x8192xf32, #tpu.memory_space<vmem>>, vector<1x16xf32>,
        %mul3A_397 = arith.constant 64 : i32
        %mul3A_398 = arith.muli %scan3A_377, %mul3A_397 : i32
        %add3A_399 = arith.constant 16 : i32
        %add3A_400 = arith.addi %mul3A_398, %add3A_399 : i32
        %get3A_401 = arith.constant 1 : i32
        %get3A_402 = arith.index_cast %get3A_401 : i32 to index
        %get3A_403 = arith.index_cast %add3A_400 : i32 to index
        %get3A_404 = tpu.vector_load %arg5[%get3A_402, %get3A_403] {strides = array<i32>} : memref<4x8192xf32, #tpu.memory_space<vmem>>, vector<1x16xf32>,
        %get3A_405 = vector.shape_cast %get3A_404 : vector<1x16xf32> to vector<16xf32>
        %get3A_406 = arith.constant 1 : i32
        %get3A_407 = arith.index_cast %get3A_406 : i32 to index
        %get3A_408 = arith.index_cast %add3A_400 : i32 to index
        %get3A_409 = tpu.vector_load %arg6[%get3A_407, %get3A_408] {strides = array<i32>} : memref<4x8192xf32, #tpu.memory_space<vmem>>, vector<1x16xf32>,
        %get3A_410 = vector.shape_cast %get3A_409 : vector<1x16xf32> to vector<16xf32>
        %add3A_411 = arith.addf %get3A_405, %get3A_410 : vector<16xf32>
        %swap3A_412 = arith.constant 1 : i32
        %swap3A_413 = arith.index_cast %swap3A_412 : i32 to index
        %swap3A_414 = arith.index_cast %add3A_400 : i32 to index
        %swap3A_415 = tpu.vector_load %arg5[%swap3A_413, %swap3A_414] {strides = array<i32>} : memref<4x8192xf32, #tpu.memory_space<vmem>>, vector<1x16xf32>,
        %swap3A_416 = vector.shape_cast %swap3A_415 : vector<1x16xf32> to vector<16xf32>
        %swap3A_417 = vector.shape_cast %add3A_411 : vector<16xf32> to vector<1x16xf32>
        tpu.vector_store %arg5[%swap3A_413, %swap3A_414], %swap3A_417 {strides = array<i32>} : memref<4x8192xf32, #tpu.memory_space<vmem>>, vector<1x16xf32>,
        %mul3A_418 = arith.constant 64 : i32
        %mul3A_419 = arith.muli %scan3A_377, %mul3A_418 : i32
        %add3A_420 = arith.constant 32 : i32
        %add3A_421 = arith.addi %mul3A_419, %add3A_420 : i32
        %get3A_422 = arith.constant 1 : i32
        %get3A_423 = arith.index_cast %get3A_422 : i32 to index
        %get3A_424 = arith.index_cast %add3A_421 : i32 to index
        %get3A_425 = tpu.vector_load %arg5[%get3A_423, %get3A_424] {strides = array<i32>} : memref<4x8192xf32, #tpu.memory_space<vmem>>, vector<1x16xf32>,
        %get3A_426 = vector.shape_cast %get3A_425 : vector<1x16xf32> to vector<16xf32>
        %get3A_427 = arith.constant 1 : i32
        %get3A_428 = arith.index_cast %get3A_427 : i32 to index
        %get3A_429 = arith.index_cast %add3A_421 : i32 to index
        %get3A_430 = tpu.vector_load %arg6[%get3A_428, %get3A_429] {strides = array<i32>} : memref<4x8192xf32, #tpu.memory_space<vmem>>, vector<1x16xf32>,
        %get3A_431 = vector.shape_cast %get3A_430 : vector<1x16xf32> to vector<16xf32>
        %add3A_432 = arith.addf %get3A_426, %get3A_431 : vector<16xf32>
        %swap3A_433 = arith.constant 1 : i32
        %swap3A_434 = arith.index_cast %swap3A_433 : i32 to index
        %swap3A_435 = arith.index_cast %add3A_421 : i32 to index
        %swap3A_436 = tpu.vector_load %arg5[%swap3A_434, %swap3A_435] {strides = array<i32>} : memref<4x8192xf32, #tpu.memory_space<vmem>>, vector<1x16xf32>,
        %swap3A_437 = vector.shape_cast %swap3A_436 : vector<1x16xf32> to vector<16xf32>
        %swap3A_438 = vector.shape_cast %add3A_432 : vector<16xf32> to vector<1x16xf32>
        tpu.vector_store %arg5[%swap3A_434, %swap3A_435], %swap3A_438 {strides = array<i32>} : memref<4x8192xf32, #tpu.memory_space<vmem>>, vector<1x16xf32>,
        %mul3A_439 = arith.constant 64 : i32
        %mul3A_440 = arith.muli %scan3A_377, %mul3A_439 : i32
        %add3A_441 = arith.constant 48 : i32
        %add3A_442 = arith.addi %mul3A_440, %add3A_441 : i32
        %get3A_443 = arith.constant 1 : i32
        %get3A_444 = arith.index_cast %get3A_443 : i32 to index
        %get3A_445 = arith.index_cast %add3A_442 : i32 to index
        %get3A_446 = tpu.vector_load %arg5[%get3A_444, %get3A_445] {strides = array<i32>} : memref<4x8192xf32, #tpu.memory_space<vmem>>, vector<1x16xf32>,
        %get3A_447 = vector.shape_cast %get3A_446 : vector<1x16xf32> to vector<16xf32>
        %get3A_448 = arith.constant 1 : i32
        %get3A_449 = arith.index_cast %get3A_448 : i32 to index
        %get3A_450 = arith.index_cast %add3A_442 : i32 to index
        %get3A_451 = tpu.vector_load %arg6[%get3A_449, %get3A_450] {strides = array<i32>} : memref<4x8192xf32, #tpu.memory_space<vmem>>, vector<1x16xf32>,
        %get3A_452 = vector.shape_cast %get3A_451 : vector<1x16xf32> to vector<16xf32>
        %add3A_453 = arith.addf %get3A_447, %get3A_452 : vector<16xf32>
        %swap3A_454 = arith.constant 1 : i32
        %swap3A_455 = arith.index_cast %swap3A_454 : i32 to index
        %swap3A_456 = arith.index_cast %add3A_442 : i32 to index
        %swap3A_457 = tpu.vector_load %arg5[%swap3A_455, %swap3A_456] {strides = array<i32>} : memref<4x8192xf32, #tpu.memory_space<vmem>>, vector<1x16xf32>,
        %swap3A_458 = vector.shape_cast %swap3A_457 : vector<1x16xf32> to vector<16xf32>
        %swap3A_459 = vector.shape_cast %add3A_453 : vector<16xf32> to vector<1x16xf32>
        tpu.vector_store %arg5[%swap3A_455, %swap3A_456], %swap3A_459 {strides = array<i32>} : memref<4x8192xf32, #tpu.memory_space<vmem>>, vector<1x16xf32>,
      }
      %scan3A_209 = arith.constant 128 : i32
      %dma_start3A_210 = arith.constant 1 : i32
      %dma_start3A_211 = arith.constant 1 : i32
      %dma_start3A_212 = arith.constant 0 : i32
      %dma_start3A_213 = tpu.memref_slice %arg5[%dma_start3A_210, %dma_start3A_212] : memref<4x8192xf32, #tpu.memory_space<vmem>> -> memref<1x8192xf32, #tpu.memory_space<vmem>>
      %dma_start3A_214 = tpu.memref_squeeze %dma_start3A_213 : memref<1x8192xf32, #tpu.memory_space<vmem>> -> memref<8192xf32, #tpu.memory_space<vmem>>
      %dma_start3A_215 = tpu.memref_slice %arg4[%add3A_176] : memref<33554432xf32, #tpu.memory_space<hbm>> -> memref<8192xf32, #tpu.memory_space<hbm>>
      %dma_start3A_216 = tpu.memref_slice %arg9[%dma_start3A_211] : memref<4x!tpu.dma_semaphore, #tpu.memory_space<semaphore_mem>> -> memref<1x!tpu.dma_semaphore, #tpu.memory_space<semaphore_mem>>
      %dma_start3A_217 = tpu.memref_squeeze %dma_start3A_216 : memref<1x!tpu.dma_semaphore, #tpu.memory_space<semaphore_mem>> -> memref<!tpu.dma_semaphore, #tpu.memory_space<semaphore_mem>>
      %dma_start3A_218 = tpu.memref_slice %arg4[%add3A_176] : memref<33554432xf32, #tpu.memory_space<hbm>> -> memref<8192xf32, #tpu.memory_space<hbm>>
      %dma_start3A_219 = arith.constant 0 : i32
      %dma_start3A_220 = tpu.memref_slice %arg5[%dma_start3A_210, %dma_start3A_219] : memref<4x8192xf32, #tpu.memory_space<vmem>> -> memref<1x8192xf32, #tpu.memory_space<vmem>>
      %dma_start3A_221 = tpu.memref_squeeze %dma_start3A_220 : memref<1x8192xf32, #tpu.memory_space<vmem>> -> memref<8192xf32, #tpu.memory_space<vmem>>
      tpu.enqueue_dma source(%dma_start3A_221 : memref<8192xf32, #tpu.memory_space<vmem>>) target(%dma_start3A_218 : memref<8192xf32, #tpu.memory_space<hbm>>) target_semaphore(%dma_start3A_217 : memref<!tpu.dma_semaphore, #tpu.memory_space<semaphore_mem>>)
      %sub3A_222 = arith.constant 1 : i32
      %sub3A_223 = arith.subi %add3A_173, %sub3A_222 : i32
      %mul3A_224 = arith.constant 8192 : i32
      %mul3A_225 = arith.muli %sub3A_223, %mul3A_224 : i32
      %add3A_226 = arith.addi %mul3A_2, %mul3A_225 : i32
      %ge3A_227 = arith.constant 1 : i32
      %ge3A_228 = arith.cmpi sge, %add3A_173, %ge3A_227 : i32
      %convert_element_type3A_229 = arith.extui %ge3A_228 : i1 to i32
      %cond3A_230 = arith.constant 0 : i32
      %cond3A_231 = arith.cmpi ne, %convert_element_type3A_229, %cond3A_230 : i32
      scf.if %cond3A_231 {
        %dma_wait3A_377 = arith.constant 0 : i32
        %dma_wait3A_378 = arith.constant 0 : i32
        %dma_wait3A_379 = arith.constant 0 : i32
        %dma_wait3A_380 = tpu.memref_slice %arg5[%dma_wait3A_377, %dma_wait3A_379] : memref<4x8192xf32, #tpu.memory_space<vmem>> -> memref<1x8192xf32, #tpu.memory_space<vmem>>
        %dma_wait3A_381 = tpu.memref_squeeze %dma_wait3A_380 : memref<1x8192xf32, #tpu.memory_space<vmem>> -> memref<8192xf32, #tpu.memory_space<vmem>>
        %dma_wait3A_382 = tpu.memref_slice %arg4[%add3A_226] : memref<33554432xf32, #tpu.memory_space<hbm>> -> memref<8192xf32, #tpu.memory_space<hbm>>
        %dma_wait3A_383 = tpu.memref_slice %arg9[%dma_wait3A_378] : memref<4x!tpu.dma_semaphore, #tpu.memory_space<semaphore_mem>> -> memref<1x!tpu.dma_semaphore, #tpu.memory_space<semaphore_mem>>
        %dma_wait3A_384 = tpu.memref_squeeze %dma_wait3A_383 : memref<1x!tpu.dma_semaphore, #tpu.memory_space<semaphore_mem>> -> memref<!tpu.dma_semaphore, #tpu.memory_space<semaphore_mem>>
        %dma_wait3A_385 = tpu.memref_slice %arg4[%add3A_226] : memref<33554432xf32, #tpu.memory_space<hbm>> -> memref<8192xf32, #tpu.memory_space<hbm>>
        %dma_wait3A_386 = arith.constant 0 : i32
        %dma_wait3A_387 = tpu.memref_slice %arg5[%dma_wait3A_377, %dma_wait3A_386] : memref<4x8192xf32, #tpu.memory_space<vmem>> -> memref<1x8192xf32, #tpu.memory_space<vmem>>
        %dma_wait3A_388 = tpu.memref_squeeze %dma_wait3A_387 : memref<1x8192xf32, #tpu.memory_space<vmem>> -> memref<8192xf32, #tpu.memory_space<vmem>>
        tpu.wait_dma2 semaphore(%dma_wait3A_384 : memref<!tpu.dma_semaphore, #tpu.memory_space<semaphore_mem>>) src(%dma_wait3A_388 : memref<8192xf32, #tpu.memory_space<vmem>>) dst(%dma_wait3A_385 : memref<8192xf32, #tpu.memory_space<hbm>>)
      } else {
      }
      %add3A_232 = arith.constant 3 : i32
      %add3A_233 = arith.addi %add3A_173, %add3A_232 : i32
      %lt3A_234 = arith.constant 128 : i32
      %lt3A_235 = arith.cmpi slt, %add3A_233, %lt3A_234 : i32
      %convert_element_type3A_236 = arith.extui %lt3A_235 : i1 to i32
      %cond3A_237 = arith.constant 0 : i32
      %cond3A_238 = arith.cmpi ne, %convert_element_type3A_236, %cond3A_237 : i32
      scf.if %cond3A_238 {
        %add3A_377 = arith.constant 3 : i32
        %add3A_378 = arith.addi %add3A_173, %add3A_377 : i32
        %mul3A_379 = arith.constant 8192 : i32
        %mul3A_380 = arith.muli %add3A_378, %mul3A_379 : i32
        %add3A_381 = arith.addi %mul3A_2, %mul3A_380 : i32
        %dma_start3A_382 = arith.constant 0 : i32
        %dma_start3A_383 = arith.constant 0 : i32
        %dma_start3A_384 = arith.constant 0 : i32
        %dma_start3A_385 = tpu.memref_slice %arg5[%dma_start3A_382, %dma_start3A_384] : memref<4x8192xf32, #tpu.memory_space<vmem>> -> memref<1x8192xf32, #tpu.memory_space<vmem>>
        %dma_start3A_386 = tpu.memref_squeeze %dma_start3A_385 : memref<1x8192xf32, #tpu.memory_space<vmem>> -> memref<8192xf32, #tpu.memory_space<vmem>>
        %dma_start3A_387 = tpu.memref_slice %arg2[%add3A_381] : memref<33554432xf32, #tpu.memory_space<hbm>> -> memref<8192xf32, #tpu.memory_space<hbm>>
        %dma_start3A_388 = tpu.memref_slice %arg7[%dma_start3A_383] : memref<4x!tpu.dma_semaphore, #tpu.memory_space<semaphore_mem>> -> memref<1x!tpu.dma_semaphore, #tpu.memory_space<semaphore_mem>>
        %dma_start3A_389 = tpu.memref_squeeze %dma_start3A_388 : memref<1x!tpu.dma_semaphore, #tpu.memory_space<semaphore_mem>> -> memref<!tpu.dma_semaphore, #tpu.memory_space<semaphore_mem>>
        %dma_start3A_390 = arith.constant 0 : i32
        %dma_start3A_391 = tpu.memref_slice %arg5[%dma_start3A_382, %dma_start3A_390] : memref<4x8192xf32, #tpu.memory_space<vmem>> -> memref<1x8192xf32, #tpu.memory_space<vmem>>
        %dma_start3A_392 = tpu.memref_squeeze %dma_start3A_391 : memref<1x8192xf32, #tpu.memory_space<vmem>> -> memref<8192xf32, #tpu.memory_space<vmem>>
        %dma_start3A_393 = tpu.memref_slice %arg2[%add3A_381] : memref<33554432xf32, #tpu.memory_space<hbm>> -> memref<8192xf32, #tpu.memory_space<hbm>>
        tpu.enqueue_dma source(%dma_start3A_393 : memref<8192xf32, #tpu.memory_space<hbm>>) target(%dma_start3A_392 : memref<8192xf32, #tpu.memory_space<vmem>>) target_semaphore(%dma_start3A_389 : memref<!tpu.dma_semaphore, #tpu.memory_space<semaphore_mem>>)
        %mul3A_394 = arith.constant 8192 : i32
        %mul3A_395 = arith.muli %add3A_378, %mul3A_394 : i32
        %add3A_396 = arith.addi %rem3A_3, %mul3A_395 : i32
        %dma_start3A_397 = arith.constant 0 : i32
        %dma_start3A_398 = arith.constant 0 : i32
        %dma_start3A_399 = arith.constant 0 : i32
        %dma_start3A_400 = tpu.memref_slice %arg6[%dma_start3A_397, %dma_start3A_399] : memref<4x8192xf32, #tpu.memory_space<vmem>> -> memref<1x8192xf32, #tpu.memory_space<vmem>>
        %dma_start3A_401 = tpu.memref_squeeze %dma_start3A_400 : memref<1x8192xf32, #tpu.memory_space<vmem>> -> memref<8192xf32, #tpu.memory_space<vmem>>
        %dma_start3A_402 = tpu.memref_slice %arg3[%add3A_396] : memref<8388608xf32, #tpu.memory_space<hbm>> -> memref<8192xf32, #tpu.memory_space<hbm>>
        %dma_start3A_403 = tpu.memref_slice %arg8[%dma_start3A_398] : memref<4x!tpu.dma_semaphore, #tpu.memory_space<semaphore_mem>> -> memref<1x!tpu.dma_semaphore, #tpu.memory_space<semaphore_mem>>
        %dma_start3A_404 = tpu.memref_squeeze %dma_start3A_403 : memref<1x!tpu.dma_semaphore, #tpu.memory_space<semaphore_mem>> -> memref<!tpu.dma_semaphore, #tpu.memory_space<semaphore_mem>>
        %dma_start3A_405 = arith.constant 0 : i32
        %dma_start3A_406 = tpu.memref_slice %arg6[%dma_start3A_397, %dma_start3A_405] : memref<4x8192xf32, #tpu.memory_space<vmem>> -> memref<1x8192xf32, #tpu.memory_space<vmem>>
        %dma_start3A_407 = tpu.memref_squeeze %dma_start3A_406 : memref<1x8192xf32, #tpu.memory_space<vmem>> -> memref<8192xf32, #tpu.memory_space<vmem>>
        %dma_start3A_408 = tpu.memref_slice %arg3[%add3A_396] : memref<8388608xf32, #tpu.memory_space<hbm>> -> memref<8192xf32, #tpu.memory_space<hbm>>
        tpu.enqueue_dma source(%dma_start3A_408 : memref<8192xf32, #tpu.memory_space<hbm>>) target(%dma_start3A_407 : memref<8192xf32, #tpu.memory_space<vmem>>) target_semaphore(%dma_start3A_404 : memref<!tpu.dma_semaphore, #tpu.memory_space<semaphore_mem>>)
      } else {
      }
      %mul3A_239 = arith.constant 4 : i32
      %mul3A_240 = arith.muli %scan3A_105, %mul3A_239 : i32
      %add3A_241 = arith.constant 2 : i32
      %add3A_242 = arith.addi %mul3A_240, %add3A_241 : i32
      %mul3A_243 = arith.constant 8192 : i32
      %mul3A_244 = arith.muli %add3A_242, %mul3A_243 : i32
      %add3A_245 = arith.addi %mul3A_2, %mul3A_244 : i32
      %dma_wait3A_246 = arith.constant 2 : i32
      %dma_wait3A_247 = arith.constant 2 : i32
      %dma_wait3A_248 = arith.constant 0 : i32
      %dma_wait3A_249 = tpu.memref_slice %arg5[%dma_wait3A_246, %dma_wait3A_248] : memref<4x8192xf32, #tpu.memory_space<vmem>> -> memref<1x8192xf32, #tpu.memory_space<vmem>>
      %dma_wait3A_250 = tpu.memref_squeeze %dma_wait3A_249 : memref<1x8192xf32, #tpu.memory_space<vmem>> -> memref<8192xf32, #tpu.memory_space<vmem>>
      %dma_wait3A_251 = tpu.memref_slice %arg2[%add3A_245] : memref<33554432xf32, #tpu.memory_space<hbm>> -> memref<8192xf32, #tpu.memory_space<hbm>>
      %dma_wait3A_252 = tpu.memref_slice %arg7[%dma_wait3A_247] : memref<4x!tpu.dma_semaphore, #tpu.memory_space<semaphore_mem>> -> memref<1x!tpu.dma_semaphore, #tpu.memory_space<semaphore_mem>>
      %dma_wait3A_253 = tpu.memref_squeeze %dma_wait3A_252 : memref<1x!tpu.dma_semaphore, #tpu.memory_space<semaphore_mem>> -> memref<!tpu.dma_semaphore, #tpu.memory_space<semaphore_mem>>
      %dma_wait3A_254 = arith.constant 0 : i32
      %dma_wait3A_255 = tpu.memref_slice %arg5[%dma_wait3A_246, %dma_wait3A_254] : memref<4x8192xf32, #tpu.memory_space<vmem>> -> memref<1x8192xf32, #tpu.memory_space<vmem>>
      %dma_wait3A_256 = tpu.memref_squeeze %dma_wait3A_255 : memref<1x8192xf32, #tpu.memory_space<vmem>> -> memref<8192xf32, #tpu.memory_space<vmem>>
      %dma_wait3A_257 = tpu.memref_slice %arg2[%add3A_245] : memref<33554432xf32, #tpu.memory_space<hbm>> -> memref<8192xf32, #tpu.memory_space<hbm>>
      tpu.wait_dma2 semaphore(%dma_wait3A_253 : memref<!tpu.dma_semaphore, #tpu.memory_space<semaphore_mem>>) src(%dma_wait3A_257 : memref<8192xf32, #tpu.memory_space<hbm>>) dst(%dma_wait3A_256 : memref<8192xf32, #tpu.memory_space<vmem>>)
      %mul3A_258 = arith.constant 8192 : i32
      %mul3A_259 = arith.muli %add3A_242, %mul3A_258 : i32
      %add3A_260 = arith.addi %rem3A_3, %mul3A_259 : i32
      %dma_wait3A_261 = arith.constant 2 : i32
      %dma_wait3A_262 = arith.constant 2 : i32
      %dma_wait3A_263 = arith.constant 0 : i32
      %dma_wait3A_264 = tpu.memref_slice %arg6[%dma_wait3A_261, %dma_wait3A_263] : memref<4x8192xf32, #tpu.memory_space<vmem>> -> memref<1x8192xf32, #tpu.memory_space<vmem>>
      %dma_wait3A_265 = tpu.memref_squeeze %dma_wait3A_264 : memref<1x8192xf32, #tpu.memory_space<vmem>> -> memref<8192xf32, #tpu.memory_space<vmem>>
      %dma_wait3A_266 = tpu.memref_slice %arg3[%add3A_260] : memref<8388608xf32, #tpu.memory_space<hbm>> -> memref<8192xf32, #tpu.memory_space<hbm>>
      %dma_wait3A_267 = tpu.memref_slice %arg8[%dma_wait3A_262] : memref<4x!tpu.dma_semaphore, #tpu.memory_space<semaphore_mem>> -> memref<1x!tpu.dma_semaphore, #tpu.memory_space<semaphore_mem>>
      %dma_wait3A_268 = tpu.memref_squeeze %dma_wait3A_267 : memref<1x!tpu.dma_semaphore, #tpu.memory_space<semaphore_mem>> -> memref<!tpu.dma_semaphore, #tpu.memory_space<semaphore_mem>>
      %dma_wait3A_269 = arith.constant 0 : i32
      %dma_wait3A_270 = tpu.memref_slice %arg6[%dma_wait3A_261, %dma_wait3A_269] : memref<4x8192xf32, #tpu.memory_space<vmem>> -> memref<1x8192xf32, #tpu.memory_space<vmem>>
      %dma_wait3A_271 = tpu.memref_squeeze %dma_wait3A_270 : memref<1x8192xf32, #tpu.memory_space<vmem>> -> memref<8192xf32, #tpu.memory_space<vmem>>
      %dma_wait3A_272 = tpu.memref_slice %arg3[%add3A_260] : memref<8388608xf32, #tpu.memory_space<hbm>> -> memref<8192xf32, #tpu.memory_space<hbm>>
      tpu.wait_dma2 semaphore(%dma_wait3A_268 : memref<!tpu.dma_semaphore, #tpu.memory_space<semaphore_mem>>) src(%dma_wait3A_272 : memref<8192xf32, #tpu.memory_space<hbm>>) dst(%dma_wait3A_271 : memref<8192xf32, #tpu.memory_space<vmem>>)
      %scan3A_273 = arith.constant 0 : i32
      %scan3A_274 = arith.constant 0 : i32
      %scan3A_275 = arith.constant 128 : i32
      %scan3A_276 = arith.addi %scan3A_274, %scan3A_275 : i32
      %scan3A_277 = arith.constant 1 : i32
      scf.for %scan3A_377 = %scan3A_274 to %scan3A_276 step %scan3A_277  : i32 {
        %mul3A_378 = arith.constant 64 : i32
        %mul3A_379 = arith.muli %scan3A_377, %mul3A_378 : i32
        %add3A_380 = arith.constant 0 : i32
        %add3A_381 = arith.addi %mul3A_379, %add3A_380 : i32
        %get3A = arith.constant 2 : i32
        %get3A_382 = arith.index_cast %get3A : i32 to index
        %get3A_383 = arith.index_cast %add3A_381 : i32 to index
        %get3A_384 = tpu.vector_load %arg5[%get3A_382, %get3A_383] {strides = array<i32>} : memref<4x8192xf32, #tpu.memory_space<vmem>>, vector<1x16xf32>,
        %get3A_385 = vector.shape_cast %get3A_384 : vector<1x16xf32> to vector<16xf32>
        %get3A_386 = arith.constant 2 : i32
        %get3A_387 = arith.index_cast %get3A_386 : i32 to index
        %get3A_388 = arith.index_cast %add3A_381 : i32 to index
        %get3A_389 = tpu.vector_load %arg6[%get3A_387, %get3A_388] {strides = array<i32>} : memref<4x8192xf32, #tpu.memory_space<vmem>>, vector<1x16xf32>,
        %get3A_390 = vector.shape_cast %get3A_389 : vector<1x16xf32> to vector<16xf32>
        %add3A_391 = arith.addf %get3A_385, %get3A_390 : vector<16xf32>
        %swap3A = arith.constant 2 : i32
        %swap3A_392 = arith.index_cast %swap3A : i32 to index
        %swap3A_393 = arith.index_cast %add3A_381 : i32 to index
        %swap3A_394 = tpu.vector_load %arg5[%swap3A_392, %swap3A_393] {strides = array<i32>} : memref<4x8192xf32, #tpu.memory_space<vmem>>, vector<1x16xf32>,
        %swap3A_395 = vector.shape_cast %swap3A_394 : vector<1x16xf32> to vector<16xf32>
        %swap3A_396 = vector.shape_cast %add3A_391 : vector<16xf32> to vector<1x16xf32>
        tpu.vector_store %arg5[%swap3A_392, %swap3A_393], %swap3A_396 {strides = array<i32>} : memref<4x8192xf32, #tpu.memory_space<vmem>>, vector<1x16xf32>,
        %mul3A_397 = arith.constant 64 : i32
        %mul3A_398 = arith.muli %scan3A_377, %mul3A_397 : i32
        %add3A_399 = arith.constant 16 : i32
        %add3A_400 = arith.addi %mul3A_398, %add3A_399 : i32
        %get3A_401 = arith.constant 2 : i32
        %get3A_402 = arith.index_cast %get3A_401 : i32 to index
        %get3A_403 = arith.index_cast %add3A_400 : i32 to index
        %get3A_404 = tpu.vector_load %arg5[%get3A_402, %get3A_403] {strides = array<i32>} : memref<4x8192xf32, #tpu.memory_space<vmem>>, vector<1x16xf32>,
        %get3A_405 = vector.shape_cast %get3A_404 : vector<1x16xf32> to vector<16xf32>
        %get3A_406 = arith.constant 2 : i32
        %get3A_407 = arith.index_cast %get3A_406 : i32 to index
        %get3A_408 = arith.index_cast %add3A_400 : i32 to index
        %get3A_409 = tpu.vector_load %arg6[%get3A_407, %get3A_408] {strides = array<i32>} : memref<4x8192xf32, #tpu.memory_space<vmem>>, vector<1x16xf32>,
        %get3A_410 = vector.shape_cast %get3A_409 : vector<1x16xf32> to vector<16xf32>
        %add3A_411 = arith.addf %get3A_405, %get3A_410 : vector<16xf32>
        %swap3A_412 = arith.constant 2 : i32
        %swap3A_413 = arith.index_cast %swap3A_412 : i32 to index
        %swap3A_414 = arith.index_cast %add3A_400 : i32 to index
        %swap3A_415 = tpu.vector_load %arg5[%swap3A_413, %swap3A_414] {strides = array<i32>} : memref<4x8192xf32, #tpu.memory_space<vmem>>, vector<1x16xf32>,
        %swap3A_416 = vector.shape_cast %swap3A_415 : vector<1x16xf32> to vector<16xf32>
        %swap3A_417 = vector.shape_cast %add3A_411 : vector<16xf32> to vector<1x16xf32>
        tpu.vector_store %arg5[%swap3A_413, %swap3A_414], %swap3A_417 {strides = array<i32>} : memref<4x8192xf32, #tpu.memory_space<vmem>>, vector<1x16xf32>,
        %mul3A_418 = arith.constant 64 : i32
        %mul3A_419 = arith.muli %scan3A_377, %mul3A_418 : i32
        %add3A_420 = arith.constant 32 : i32
        %add3A_421 = arith.addi %mul3A_419, %add3A_420 : i32
        %get3A_422 = arith.constant 2 : i32
        %get3A_423 = arith.index_cast %get3A_422 : i32 to index
        %get3A_424 = arith.index_cast %add3A_421 : i32 to index
        %get3A_425 = tpu.vector_load %arg5[%get3A_423, %get3A_424] {strides = array<i32>} : memref<4x8192xf32, #tpu.memory_space<vmem>>, vector<1x16xf32>,
        %get3A_426 = vector.shape_cast %get3A_425 : vector<1x16xf32> to vector<16xf32>
        %get3A_427 = arith.constant 2 : i32
        %get3A_428 = arith.index_cast %get3A_427 : i32 to index
        %get3A_429 = arith.index_cast %add3A_421 : i32 to index
        %get3A_430 = tpu.vector_load %arg6[%get3A_428, %get3A_429] {strides = array<i32>} : memref<4x8192xf32, #tpu.memory_space<vmem>>, vector<1x16xf32>,
        %get3A_431 = vector.shape_cast %get3A_430 : vector<1x16xf32> to vector<16xf32>
        %add3A_432 = arith.addf %get3A_426, %get3A_431 : vector<16xf32>
        %swap3A_433 = arith.constant 2 : i32
        %swap3A_434 = arith.index_cast %swap3A_433 : i32 to index
        %swap3A_435 = arith.index_cast %add3A_421 : i32 to index
        %swap3A_436 = tpu.vector_load %arg5[%swap3A_434, %swap3A_435] {strides = array<i32>} : memref<4x8192xf32, #tpu.memory_space<vmem>>, vector<1x16xf32>,
        %swap3A_437 = vector.shape_cast %swap3A_436 : vector<1x16xf32> to vector<16xf32>
        %swap3A_438 = vector.shape_cast %add3A_432 : vector<16xf32> to vector<1x16xf32>
        tpu.vector_store %arg5[%swap3A_434, %swap3A_435], %swap3A_438 {strides = array<i32>} : memref<4x8192xf32, #tpu.memory_space<vmem>>, vector<1x16xf32>,
        %mul3A_439 = arith.constant 64 : i32
        %mul3A_440 = arith.muli %scan3A_377, %mul3A_439 : i32
        %add3A_441 = arith.constant 48 : i32
        %add3A_442 = arith.addi %mul3A_440, %add3A_441 : i32
        %get3A_443 = arith.constant 2 : i32
        %get3A_444 = arith.index_cast %get3A_443 : i32 to index
        %get3A_445 = arith.index_cast %add3A_442 : i32 to index
        %get3A_446 = tpu.vector_load %arg5[%get3A_444, %get3A_445] {strides = array<i32>} : memref<4x8192xf32, #tpu.memory_space<vmem>>, vector<1x16xf32>,
        %get3A_447 = vector.shape_cast %get3A_446 : vector<1x16xf32> to vector<16xf32>
        %get3A_448 = arith.constant 2 : i32
        %get3A_449 = arith.index_cast %get3A_448 : i32 to index
        %get3A_450 = arith.index_cast %add3A_442 : i32 to index
        %get3A_451 = tpu.vector_load %arg6[%get3A_449, %get3A_450] {strides = array<i32>} : memref<4x8192xf32, #tpu.memory_space<vmem>>, vector<1x16xf32>,
        %get3A_452 = vector.shape_cast %get3A_451 : vector<1x16xf32> to vector<16xf32>
        %add3A_453 = arith.addf %get3A_447, %get3A_452 : vector<16xf32>
        %swap3A_454 = arith.constant 2 : i32
        %swap3A_455 = arith.index_cast %swap3A_454 : i32 to index
        %swap3A_456 = arith.index_cast %add3A_442 : i32 to index
        %swap3A_457 = tpu.vector_load %arg5[%swap3A_455, %swap3A_456] {strides = array<i32>} : memref<4x8192xf32, #tpu.memory_space<vmem>>, vector<1x16xf32>,
        %swap3A_458 = vector.shape_cast %swap3A_457 : vector<1x16xf32> to vector<16xf32>
        %swap3A_459 = vector.shape_cast %add3A_453 : vector<16xf32> to vector<1x16xf32>
        tpu.vector_store %arg5[%swap3A_455, %swap3A_456], %swap3A_459 {strides = array<i32>} : memref<4x8192xf32, #tpu.memory_space<vmem>>, vector<1x16xf32>,
      }
      %scan3A_278 = arith.constant 128 : i32
      %dma_start3A_279 = arith.constant 2 : i32
      %dma_start3A_280 = arith.constant 2 : i32
      %dma_start3A_281 = arith.constant 0 : i32
      %dma_start3A_282 = tpu.memref_slice %arg5[%dma_start3A_279, %dma_start3A_281] : memref<4x8192xf32, #tpu.memory_space<vmem>> -> memref<1x8192xf32, #tpu.memory_space<vmem>>
      %dma_start3A_283 = tpu.memref_squeeze %dma_start3A_282 : memref<1x8192xf32, #tpu.memory_space<vmem>> -> memref<8192xf32, #tpu.memory_space<vmem>>
      %dma_start3A_284 = tpu.memref_slice %arg4[%add3A_245] : memref<33554432xf32, #tpu.memory_space<hbm>> -> memref<8192xf32, #tpu.memory_space<hbm>>
      %dma_start3A_285 = tpu.memref_slice %arg9[%dma_start3A_280] : memref<4x!tpu.dma_semaphore, #tpu.memory_space<semaphore_mem>> -> memref<1x!tpu.dma_semaphore, #tpu.memory_space<semaphore_mem>>
      %dma_start3A_286 = tpu.memref_squeeze %dma_start3A_285 : memref<1x!tpu.dma_semaphore, #tpu.memory_space<semaphore_mem>> -> memref<!tpu.dma_semaphore, #tpu.memory_space<semaphore_mem>>
      %dma_start3A_287 = tpu.memref_slice %arg4[%add3A_245] : memref<33554432xf32, #tpu.memory_space<hbm>> -> memref<8192xf32, #tpu.memory_space<hbm>>
      %dma_start3A_288 = arith.constant 0 : i32
      %dma_start3A_289 = tpu.memref_slice %arg5[%dma_start3A_279, %dma_start3A_288] : memref<4x8192xf32, #tpu.memory_space<vmem>> -> memref<1x8192xf32, #tpu.memory_space<vmem>>
      %dma_start3A_290 = tpu.memref_squeeze %dma_start3A_289 : memref<1x8192xf32, #tpu.memory_space<vmem>> -> memref<8192xf32, #tpu.memory_space<vmem>>
      tpu.enqueue_dma source(%dma_start3A_290 : memref<8192xf32, #tpu.memory_space<vmem>>) target(%dma_start3A_287 : memref<8192xf32, #tpu.memory_space<hbm>>) target_semaphore(%dma_start3A_286 : memref<!tpu.dma_semaphore, #tpu.memory_space<semaphore_mem>>)
      %sub3A_291 = arith.constant 1 : i32
      %sub3A_292 = arith.subi %add3A_242, %sub3A_291 : i32
      %mul3A_293 = arith.constant 8192 : i32
      %mul3A_294 = arith.muli %sub3A_292, %mul3A_293 : i32
      %add3A_295 = arith.addi %mul3A_2, %mul3A_294 : i32
      %ge3A_296 = arith.constant 1 : i32
      %ge3A_297 = arith.cmpi sge, %add3A_242, %ge3A_296 : i32
      %convert_element_type3A_298 = arith.extui %ge3A_297 : i1 to i32
      %cond3A_299 = arith.constant 0 : i32
      %cond3A_300 = arith.cmpi ne, %convert_element_type3A_298, %cond3A_299 : i32
      scf.if %cond3A_300 {
        %dma_wait3A_377 = arith.constant 1 : i32
        %dma_wait3A_378 = arith.constant 1 : i32
        %dma_wait3A_379 = arith.constant 0 : i32
        %dma_wait3A_380 = tpu.memref_slice %arg5[%dma_wait3A_377, %dma_wait3A_379] : memref<4x8192xf32, #tpu.memory_space<vmem>> -> memref<1x8192xf32, #tpu.memory_space<vmem>>
        %dma_wait3A_381 = tpu.memref_squeeze %dma_wait3A_380 : memref<1x8192xf32, #tpu.memory_space<vmem>> -> memref<8192xf32, #tpu.memory_space<vmem>>
        %dma_wait3A_382 = tpu.memref_slice %arg4[%add3A_295] : memref<33554432xf32, #tpu.memory_space<hbm>> -> memref<8192xf32, #tpu.memory_space<hbm>>
        %dma_wait3A_383 = tpu.memref_slice %arg9[%dma_wait3A_378] : memref<4x!tpu.dma_semaphore, #tpu.memory_space<semaphore_mem>> -> memref<1x!tpu.dma_semaphore, #tpu.memory_space<semaphore_mem>>
        %dma_wait3A_384 = tpu.memref_squeeze %dma_wait3A_383 : memref<1x!tpu.dma_semaphore, #tpu.memory_space<semaphore_mem>> -> memref<!tpu.dma_semaphore, #tpu.memory_space<semaphore_mem>>
        %dma_wait3A_385 = tpu.memref_slice %arg4[%add3A_295] : memref<33554432xf32, #tpu.memory_space<hbm>> -> memref<8192xf32, #tpu.memory_space<hbm>>
        %dma_wait3A_386 = arith.constant 0 : i32
        %dma_wait3A_387 = tpu.memref_slice %arg5[%dma_wait3A_377, %dma_wait3A_386] : memref<4x8192xf32, #tpu.memory_space<vmem>> -> memref<1x8192xf32, #tpu.memory_space<vmem>>
        %dma_wait3A_388 = tpu.memref_squeeze %dma_wait3A_387 : memref<1x8192xf32, #tpu.memory_space<vmem>> -> memref<8192xf32, #tpu.memory_space<vmem>>
        tpu.wait_dma2 semaphore(%dma_wait3A_384 : memref<!tpu.dma_semaphore, #tpu.memory_space<semaphore_mem>>) src(%dma_wait3A_388 : memref<8192xf32, #tpu.memory_space<vmem>>) dst(%dma_wait3A_385 : memref<8192xf32, #tpu.memory_space<hbm>>)
      } else {
      }
      %add3A_301 = arith.constant 3 : i32
      %add3A_302 = arith.addi %add3A_242, %add3A_301 : i32
      %lt3A_303 = arith.constant 128 : i32
      %lt3A_304 = arith.cmpi slt, %add3A_302, %lt3A_303 : i32
      %convert_element_type3A_305 = arith.extui %lt3A_304 : i1 to i32
      %cond3A_306 = arith.constant 0 : i32
      %cond3A_307 = arith.cmpi ne, %convert_element_type3A_305, %cond3A_306 : i32
      scf.if %cond3A_307 {
        %add3A_377 = arith.constant 3 : i32
        %add3A_378 = arith.addi %add3A_242, %add3A_377 : i32
        %mul3A_379 = arith.constant 8192 : i32
        %mul3A_380 = arith.muli %add3A_378, %mul3A_379 : i32
        %add3A_381 = arith.addi %mul3A_2, %mul3A_380 : i32
        %dma_start3A_382 = arith.constant 1 : i32
        %dma_start3A_383 = arith.constant 1 : i32
        %dma_start3A_384 = arith.constant 0 : i32
        %dma_start3A_385 = tpu.memref_slice %arg5[%dma_start3A_382, %dma_start3A_384] : memref<4x8192xf32, #tpu.memory_space<vmem>> -> memref<1x8192xf32, #tpu.memory_space<vmem>>
        %dma_start3A_386 = tpu.memref_squeeze %dma_start3A_385 : memref<1x8192xf32, #tpu.memory_space<vmem>> -> memref<8192xf32, #tpu.memory_space<vmem>>
        %dma_start3A_387 = tpu.memref_slice %arg2[%add3A_381] : memref<33554432xf32, #tpu.memory_space<hbm>> -> memref<8192xf32, #tpu.memory_space<hbm>>
        %dma_start3A_388 = tpu.memref_slice %arg7[%dma_start3A_383] : memref<4x!tpu.dma_semaphore, #tpu.memory_space<semaphore_mem>> -> memref<1x!tpu.dma_semaphore, #tpu.memory_space<semaphore_mem>>
        %dma_start3A_389 = tpu.memref_squeeze %dma_start3A_388 : memref<1x!tpu.dma_semaphore, #tpu.memory_space<semaphore_mem>> -> memref<!tpu.dma_semaphore, #tpu.memory_space<semaphore_mem>>
        %dma_start3A_390 = arith.constant 0 : i32
        %dma_start3A_391 = tpu.memref_slice %arg5[%dma_start3A_382, %dma_start3A_390] : memref<4x8192xf32, #tpu.memory_space<vmem>> -> memref<1x8192xf32, #tpu.memory_space<vmem>>
        %dma_start3A_392 = tpu.memref_squeeze %dma_start3A_391 : memref<1x8192xf32, #tpu.memory_space<vmem>> -> memref<8192xf32, #tpu.memory_space<vmem>>
        %dma_start3A_393 = tpu.memref_slice %arg2[%add3A_381] : memref<33554432xf32, #tpu.memory_space<hbm>> -> memref<8192xf32, #tpu.memory_space<hbm>>
        tpu.enqueue_dma source(%dma_start3A_393 : memref<8192xf32, #tpu.memory_space<hbm>>) target(%dma_start3A_392 : memref<8192xf32, #tpu.memory_space<vmem>>) target_semaphore(%dma_start3A_389 : memref<!tpu.dma_semaphore, #tpu.memory_space<semaphore_mem>>)
        %mul3A_394 = arith.constant 8192 : i32
        %mul3A_395 = arith.muli %add3A_378, %mul3A_394 : i32
        %add3A_396 = arith.addi %rem3A_3, %mul3A_395 : i32
        %dma_start3A_397 = arith.constant 1 : i32
        %dma_start3A_398 = arith.constant 1 : i32
        %dma_start3A_399 = arith.constant 0 : i32
        %dma_start3A_400 = tpu.memref_slice %arg6[%dma_start3A_397, %dma_start3A_399] : memref<4x8192xf32, #tpu.memory_space<vmem>> -> memref<1x8192xf32, #tpu.memory_space<vmem>>
        %dma_start3A_401 = tpu.memref_squeeze %dma_start3A_400 : memref<1x8192xf32, #tpu.memory_space<vmem>> -> memref<8192xf32, #tpu.memory_space<vmem>>
        %dma_start3A_402 = tpu.memref_slice %arg3[%add3A_396] : memref<8388608xf32, #tpu.memory_space<hbm>> -> memref<8192xf32, #tpu.memory_space<hbm>>
        %dma_start3A_403 = tpu.memref_slice %arg8[%dma_start3A_398] : memref<4x!tpu.dma_semaphore, #tpu.memory_space<semaphore_mem>> -> memref<1x!tpu.dma_semaphore, #tpu.memory_space<semaphore_mem>>
        %dma_start3A_404 = tpu.memref_squeeze %dma_start3A_403 : memref<1x!tpu.dma_semaphore, #tpu.memory_space<semaphore_mem>> -> memref<!tpu.dma_semaphore, #tpu.memory_space<semaphore_mem>>
        %dma_start3A_405 = arith.constant 0 : i32
        %dma_start3A_406 = tpu.memref_slice %arg6[%dma_start3A_397, %dma_start3A_405] : memref<4x8192xf32, #tpu.memory_space<vmem>> -> memref<1x8192xf32, #tpu.memory_space<vmem>>
        %dma_start3A_407 = tpu.memref_squeeze %dma_start3A_406 : memref<1x8192xf32, #tpu.memory_space<vmem>> -> memref<8192xf32, #tpu.memory_space<vmem>>
        %dma_start3A_408 = tpu.memref_slice %arg3[%add3A_396] : memref<8388608xf32, #tpu.memory_space<hbm>> -> memref<8192xf32, #tpu.memory_space<hbm>>
        tpu.enqueue_dma source(%dma_start3A_408 : memref<8192xf32, #tpu.memory_space<hbm>>) target(%dma_start3A_407 : memref<8192xf32, #tpu.memory_space<vmem>>) target_semaphore(%dma_start3A_404 : memref<!tpu.dma_semaphore, #tpu.memory_space<semaphore_mem>>)
      } else {
      }
      %mul3A_308 = arith.constant 4 : i32
      %mul3A_309 = arith.muli %scan3A_105, %mul3A_308 : i32
      %add3A_310 = arith.constant 3 : i32
      %add3A_311 = arith.addi %mul3A_309, %add3A_310 : i32
      %mul3A_312 = arith.constant 8192 : i32
      %mul3A_313 = arith.muli %add3A_311, %mul3A_312 : i32
      %add3A_314 = arith.addi %mul3A_2, %mul3A_313 : i32
      %dma_wait3A_315 = arith.constant 3 : i32
      %dma_wait3A_316 = arith.constant 3 : i32
      %dma_wait3A_317 = arith.constant 0 : i32
      %dma_wait3A_318 = tpu.memref_slice %arg5[%dma_wait3A_315, %dma_wait3A_317] : memref<4x8192xf32, #tpu.memory_space<vmem>> -> memref<1x8192xf32, #tpu.memory_space<vmem>>
      %dma_wait3A_319 = tpu.memref_squeeze %dma_wait3A_318 : memref<1x8192xf32, #tpu.memory_space<vmem>> -> memref<8192xf32, #tpu.memory_space<vmem>>
      %dma_wait3A_320 = tpu.memref_slice %arg2[%add3A_314] : memref<33554432xf32, #tpu.memory_space<hbm>> -> memref<8192xf32, #tpu.memory_space<hbm>>
      %dma_wait3A_321 = tpu.memref_slice %arg7[%dma_wait3A_316] : memref<4x!tpu.dma_semaphore, #tpu.memory_space<semaphore_mem>> -> memref<1x!tpu.dma_semaphore, #tpu.memory_space<semaphore_mem>>
      %dma_wait3A_322 = tpu.memref_squeeze %dma_wait3A_321 : memref<1x!tpu.dma_semaphore, #tpu.memory_space<semaphore_mem>> -> memref<!tpu.dma_semaphore, #tpu.memory_space<semaphore_mem>>
      %dma_wait3A_323 = arith.constant 0 : i32
      %dma_wait3A_324 = tpu.memref_slice %arg5[%dma_wait3A_315, %dma_wait3A_323] : memref<4x8192xf32, #tpu.memory_space<vmem>> -> memref<1x8192xf32, #tpu.memory_space<vmem>>
      %dma_wait3A_325 = tpu.memref_squeeze %dma_wait3A_324 : memref<1x8192xf32, #tpu.memory_space<vmem>> -> memref<8192xf32, #tpu.memory_space<vmem>>
      %dma_wait3A_326 = tpu.memref_slice %arg2[%add3A_314] : memref<33554432xf32, #tpu.memory_space<hbm>> -> memref<8192xf32, #tpu.memory_space<hbm>>
      tpu.wait_dma2 semaphore(%dma_wait3A_322 : memref<!tpu.dma_semaphore, #tpu.memory_space<semaphore_mem>>) src(%dma_wait3A_326 : memref<8192xf32, #tpu.memory_space<hbm>>) dst(%dma_wait3A_325 : memref<8192xf32, #tpu.memory_space<vmem>>)
      %mul3A_327 = arith.constant 8192 : i32
      %mul3A_328 = arith.muli %add3A_311, %mul3A_327 : i32
      %add3A_329 = arith.addi %rem3A_3, %mul3A_328 : i32
      %dma_wait3A_330 = arith.constant 3 : i32
      %dma_wait3A_331 = arith.constant 3 : i32
      %dma_wait3A_332 = arith.constant 0 : i32
      %dma_wait3A_333 = tpu.memref_slice %arg6[%dma_wait3A_330, %dma_wait3A_332] : memref<4x8192xf32, #tpu.memory_space<vmem>> -> memref<1x8192xf32, #tpu.memory_space<vmem>>
      %dma_wait3A_334 = tpu.memref_squeeze %dma_wait3A_333 : memref<1x8192xf32, #tpu.memory_space<vmem>> -> memref<8192xf32, #tpu.memory_space<vmem>>
      %dma_wait3A_335 = tpu.memref_slice %arg3[%add3A_329] : memref<8388608xf32, #tpu.memory_space<hbm>> -> memref<8192xf32, #tpu.memory_space<hbm>>
      %dma_wait3A_336 = tpu.memref_slice %arg8[%dma_wait3A_331] : memref<4x!tpu.dma_semaphore, #tpu.memory_space<semaphore_mem>> -> memref<1x!tpu.dma_semaphore, #tpu.memory_space<semaphore_mem>>
      %dma_wait3A_337 = tpu.memref_squeeze %dma_wait3A_336 : memref<1x!tpu.dma_semaphore, #tpu.memory_space<semaphore_mem>> -> memref<!tpu.dma_semaphore, #tpu.memory_space<semaphore_mem>>
      %dma_wait3A_338 = arith.constant 0 : i32
      %dma_wait3A_339 = tpu.memref_slice %arg6[%dma_wait3A_330, %dma_wait3A_338] : memref<4x8192xf32, #tpu.memory_space<vmem>> -> memref<1x8192xf32, #tpu.memory_space<vmem>>
      %dma_wait3A_340 = tpu.memref_squeeze %dma_wait3A_339 : memref<1x8192xf32, #tpu.memory_space<vmem>> -> memref<8192xf32, #tpu.memory_space<vmem>>
      %dma_wait3A_341 = tpu.memref_slice %arg3[%add3A_329] : memref<8388608xf32, #tpu.memory_space<hbm>> -> memref<8192xf32, #tpu.memory_space<hbm>>
      tpu.wait_dma2 semaphore(%dma_wait3A_337 : memref<!tpu.dma_semaphore, #tpu.memory_space<semaphore_mem>>) src(%dma_wait3A_341 : memref<8192xf32, #tpu.memory_space<hbm>>) dst(%dma_wait3A_340 : memref<8192xf32, #tpu.memory_space<vmem>>)
      %scan3A_342 = arith.constant 0 : i32
      %scan3A_343 = arith.constant 0 : i32
      %scan3A_344 = arith.constant 128 : i32
      %scan3A_345 = arith.addi %scan3A_343, %scan3A_344 : i32
      %scan3A_346 = arith.constant 1 : i32
      scf.for %scan3A_377 = %scan3A_343 to %scan3A_345 step %scan3A_346  : i32 {
        %mul3A_378 = arith.constant 64 : i32
        %mul3A_379 = arith.muli %scan3A_377, %mul3A_378 : i32
        %add3A_380 = arith.constant 0 : i32
        %add3A_381 = arith.addi %mul3A_379, %add3A_380 : i32
        %get3A = arith.constant 3 : i32
        %get3A_382 = arith.index_cast %get3A : i32 to index
        %get3A_383 = arith.index_cast %add3A_381 : i32 to index
        %get3A_384 = tpu.vector_load %arg5[%get3A_382, %get3A_383] {strides = array<i32>} : memref<4x8192xf32, #tpu.memory_space<vmem>>, vector<1x16xf32>,
        %get3A_385 = vector.shape_cast %get3A_384 : vector<1x16xf32> to vector<16xf32>
        %get3A_386 = arith.constant 3 : i32
        %get3A_387 = arith.index_cast %get3A_386 : i32 to index
        %get3A_388 = arith.index_cast %add3A_381 : i32 to index
        %get3A_389 = tpu.vector_load %arg6[%get3A_387, %get3A_388] {strides = array<i32>} : memref<4x8192xf32, #tpu.memory_space<vmem>>, vector<1x16xf32>,
        %get3A_390 = vector.shape_cast %get3A_389 : vector<1x16xf32> to vector<16xf32>
        %add3A_391 = arith.addf %get3A_385, %get3A_390 : vector<16xf32>
        %swap3A = arith.constant 3 : i32
        %swap3A_392 = arith.index_cast %swap3A : i32 to index
        %swap3A_393 = arith.index_cast %add3A_381 : i32 to index
        %swap3A_394 = tpu.vector_load %arg5[%swap3A_392, %swap3A_393] {strides = array<i32>} : memref<4x8192xf32, #tpu.memory_space<vmem>>, vector<1x16xf32>,
        %swap3A_395 = vector.shape_cast %swap3A_394 : vector<1x16xf32> to vector<16xf32>
        %swap3A_396 = vector.shape_cast %add3A_391 : vector<16xf32> to vector<1x16xf32>
        tpu.vector_store %arg5[%swap3A_392, %swap3A_393], %swap3A_396 {strides = array<i32>} : memref<4x8192xf32, #tpu.memory_space<vmem>>, vector<1x16xf32>,
        %mul3A_397 = arith.constant 64 : i32
        %mul3A_398 = arith.muli %scan3A_377, %mul3A_397 : i32
        %add3A_399 = arith.constant 16 : i32
        %add3A_400 = arith.addi %mul3A_398, %add3A_399 : i32
        %get3A_401 = arith.constant 3 : i32
        %get3A_402 = arith.index_cast %get3A_401 : i32 to index
        %get3A_403 = arith.index_cast %add3A_400 : i32 to index
        %get3A_404 = tpu.vector_load %arg5[%get3A_402, %get3A_403] {strides = array<i32>} : memref<4x8192xf32, #tpu.memory_space<vmem>>, vector<1x16xf32>,
        %get3A_405 = vector.shape_cast %get3A_404 : vector<1x16xf32> to vector<16xf32>
        %get3A_406 = arith.constant 3 : i32
        %get3A_407 = arith.index_cast %get3A_406 : i32 to index
        %get3A_408 = arith.index_cast %add3A_400 : i32 to index
        %get3A_409 = tpu.vector_load %arg6[%get3A_407, %get3A_408] {strides = array<i32>} : memref<4x8192xf32, #tpu.memory_space<vmem>>, vector<1x16xf32>,
        %get3A_410 = vector.shape_cast %get3A_409 : vector<1x16xf32> to vector<16xf32>
        %add3A_411 = arith.addf %get3A_405, %get3A_410 : vector<16xf32>
        %swap3A_412 = arith.constant 3 : i32
        %swap3A_413 = arith.index_cast %swap3A_412 : i32 to index
        %swap3A_414 = arith.index_cast %add3A_400 : i32 to index
        %swap3A_415 = tpu.vector_load %arg5[%swap3A_413, %swap3A_414] {strides = array<i32>} : memref<4x8192xf32, #tpu.memory_space<vmem>>, vector<1x16xf32>,
        %swap3A_416 = vector.shape_cast %swap3A_415 : vector<1x16xf32> to vector<16xf32>
        %swap3A_417 = vector.shape_cast %add3A_411 : vector<16xf32> to vector<1x16xf32>
        tpu.vector_store %arg5[%swap3A_413, %swap3A_414], %swap3A_417 {strides = array<i32>} : memref<4x8192xf32, #tpu.memory_space<vmem>>, vector<1x16xf32>,
        %mul3A_418 = arith.constant 64 : i32
        %mul3A_419 = arith.muli %scan3A_377, %mul3A_418 : i32
        %add3A_420 = arith.constant 32 : i32
        %add3A_421 = arith.addi %mul3A_419, %add3A_420 : i32
        %get3A_422 = arith.constant 3 : i32
        %get3A_423 = arith.index_cast %get3A_422 : i32 to index
        %get3A_424 = arith.index_cast %add3A_421 : i32 to index
        %get3A_425 = tpu.vector_load %arg5[%get3A_423, %get3A_424] {strides = array<i32>} : memref<4x8192xf32, #tpu.memory_space<vmem>>, vector<1x16xf32>,
        %get3A_426 = vector.shape_cast %get3A_425 : vector<1x16xf32> to vector<16xf32>
        %get3A_427 = arith.constant 3 : i32
        %get3A_428 = arith.index_cast %get3A_427 : i32 to index
        %get3A_429 = arith.index_cast %add3A_421 : i32 to index
        %get3A_430 = tpu.vector_load %arg6[%get3A_428, %get3A_429] {strides = array<i32>} : memref<4x8192xf32, #tpu.memory_space<vmem>>, vector<1x16xf32>,
        %get3A_431 = vector.shape_cast %get3A_430 : vector<1x16xf32> to vector<16xf32>
        %add3A_432 = arith.addf %get3A_426, %get3A_431 : vector<16xf32>
        %swap3A_433 = arith.constant 3 : i32
        %swap3A_434 = arith.index_cast %swap3A_433 : i32 to index
        %swap3A_435 = arith.index_cast %add3A_421 : i32 to index
        %swap3A_436 = tpu.vector_load %arg5[%swap3A_434, %swap3A_435] {strides = array<i32>} : memref<4x8192xf32, #tpu.memory_space<vmem>>, vector<1x16xf32>,
        %swap3A_437 = vector.shape_cast %swap3A_436 : vector<1x16xf32> to vector<16xf32>
        %swap3A_438 = vector.shape_cast %add3A_432 : vector<16xf32> to vector<1x16xf32>
        tpu.vector_store %arg5[%swap3A_434, %swap3A_435], %swap3A_438 {strides = array<i32>} : memref<4x8192xf32, #tpu.memory_space<vmem>>, vector<1x16xf32>,
        %mul3A_439 = arith.constant 64 : i32
        %mul3A_440 = arith.muli %scan3A_377, %mul3A_439 : i32
        %add3A_441 = arith.constant 48 : i32
        %add3A_442 = arith.addi %mul3A_440, %add3A_441 : i32
        %get3A_443 = arith.constant 3 : i32
        %get3A_444 = arith.index_cast %get3A_443 : i32 to index
        %get3A_445 = arith.index_cast %add3A_442 : i32 to index
        %get3A_446 = tpu.vector_load %arg5[%get3A_444, %get3A_445] {strides = array<i32>} : memref<4x8192xf32, #tpu.memory_space<vmem>>, vector<1x16xf32>,
        %get3A_447 = vector.shape_cast %get3A_446 : vector<1x16xf32> to vector<16xf32>
        %get3A_448 = arith.constant 3 : i32
        %get3A_449 = arith.index_cast %get3A_448 : i32 to index
        %get3A_450 = arith.index_cast %add3A_442 : i32 to index
        %get3A_451 = tpu.vector_load %arg6[%get3A_449, %get3A_450] {strides = array<i32>} : memref<4x8192xf32, #tpu.memory_space<vmem>>, vector<1x16xf32>,
        %get3A_452 = vector.shape_cast %get3A_451 : vector<1x16xf32> to vector<16xf32>
        %add3A_453 = arith.addf %get3A_447, %get3A_452 : vector<16xf32>
        %swap3A_454 = arith.constant 3 : i32
        %swap3A_455 = arith.index_cast %swap3A_454 : i32 to index
        %swap3A_456 = arith.index_cast %add3A_442 : i32 to index
        %swap3A_457 = tpu.vector_load %arg5[%swap3A_455, %swap3A_456] {strides = array<i32>} : memref<4x8192xf32, #tpu.memory_space<vmem>>, vector<1x16xf32>,
        %swap3A_458 = vector.shape_cast %swap3A_457 : vector<1x16xf32> to vector<16xf32>
        %swap3A_459 = vector.shape_cast %add3A_453 : vector<16xf32> to vector<1x16xf32>
        tpu.vector_store %arg5[%swap3A_455, %swap3A_456], %swap3A_459 {strides = array<i32>} : memref<4x8192xf32, #tpu.memory_space<vmem>>, vector<1x16xf32>,
      }
      %scan3A_347 = arith.constant 128 : i32
      %dma_start3A_348 = arith.constant 3 : i32
      %dma_start3A_349 = arith.constant 3 : i32
      %dma_start3A_350 = arith.constant 0 : i32
      %dma_start3A_351 = tpu.memref_slice %arg5[%dma_start3A_348, %dma_start3A_350] : memref<4x8192xf32, #tpu.memory_space<vmem>> -> memref<1x8192xf32, #tpu.memory_space<vmem>>
      %dma_start3A_352 = tpu.memref_squeeze %dma_start3A_351 : memref<1x8192xf32, #tpu.memory_space<vmem>> -> memref<8192xf32, #tpu.memory_space<vmem>>
      %dma_start3A_353 = tpu.memref_slice %arg4[%add3A_314] : memref<33554432xf32, #tpu.memory_space<hbm>> -> memref<8192xf32, #tpu.memory_space<hbm>>
      %dma_start3A_354 = tpu.memref_slice %arg9[%dma_start3A_349] : memref<4x!tpu.dma_semaphore, #tpu.memory_space<semaphore_mem>> -> memref<1x!tpu.dma_semaphore, #tpu.memory_space<semaphore_mem>>
      %dma_start3A_355 = tpu.memref_squeeze %dma_start3A_354 : memref<1x!tpu.dma_semaphore, #tpu.memory_space<semaphore_mem>> -> memref<!tpu.dma_semaphore, #tpu.memory_space<semaphore_mem>>
      %dma_start3A_356 = tpu.memref_slice %arg4[%add3A_314] : memref<33554432xf32, #tpu.memory_space<hbm>> -> memref<8192xf32, #tpu.memory_space<hbm>>
      %dma_start3A_357 = arith.constant 0 : i32
      %dma_start3A_358 = tpu.memref_slice %arg5[%dma_start3A_348, %dma_start3A_357] : memref<4x8192xf32, #tpu.memory_space<vmem>> -> memref<1x8192xf32, #tpu.memory_space<vmem>>
      %dma_start3A_359 = tpu.memref_squeeze %dma_start3A_358 : memref<1x8192xf32, #tpu.memory_space<vmem>> -> memref<8192xf32, #tpu.memory_space<vmem>>
      tpu.enqueue_dma source(%dma_start3A_359 : memref<8192xf32, #tpu.memory_space<vmem>>) target(%dma_start3A_356 : memref<8192xf32, #tpu.memory_space<hbm>>) target_semaphore(%dma_start3A_355 : memref<!tpu.dma_semaphore, #tpu.memory_space<semaphore_mem>>)
      %sub3A_360 = arith.constant 1 : i32
      %sub3A_361 = arith.subi %add3A_311, %sub3A_360 : i32
      %mul3A_362 = arith.constant 8192 : i32
      %mul3A_363 = arith.muli %sub3A_361, %mul3A_362 : i32
      %add3A_364 = arith.addi %mul3A_2, %mul3A_363 : i32
      %ge3A_365 = arith.constant 1 : i32
      %ge3A_366 = arith.cmpi sge, %add3A_311, %ge3A_365 : i32
      %convert_element_type3A_367 = arith.extui %ge3A_366 : i1 to i32
      %cond3A_368 = arith.constant 0 : i32
      %cond3A_369 = arith.cmpi ne, %convert_element_type3A_367, %cond3A_368 : i32
      scf.if %cond3A_369 {
        %dma_wait3A_377 = arith.constant 2 : i32
        %dma_wait3A_378 = arith.constant 2 : i32
        %dma_wait3A_379 = arith.constant 0 : i32
        %dma_wait3A_380 = tpu.memref_slice %arg5[%dma_wait3A_377, %dma_wait3A_379] : memref<4x8192xf32, #tpu.memory_space<vmem>> -> memref<1x8192xf32, #tpu.memory_space<vmem>>
        %dma_wait3A_381 = tpu.memref_squeeze %dma_wait3A_380 : memref<1x8192xf32, #tpu.memory_space<vmem>> -> memref<8192xf32, #tpu.memory_space<vmem>>
        %dma_wait3A_382 = tpu.memref_slice %arg4[%add3A_364] : memref<33554432xf32, #tpu.memory_space<hbm>> -> memref<8192xf32, #tpu.memory_space<hbm>>
        %dma_wait3A_383 = tpu.memref_slice %arg9[%dma_wait3A_378] : memref<4x!tpu.dma_semaphore, #tpu.memory_space<semaphore_mem>> -> memref<1x!tpu.dma_semaphore, #tpu.memory_space<semaphore_mem>>
        %dma_wait3A_384 = tpu.memref_squeeze %dma_wait3A_383 : memref<1x!tpu.dma_semaphore, #tpu.memory_space<semaphore_mem>> -> memref<!tpu.dma_semaphore, #tpu.memory_space<semaphore_mem>>
        %dma_wait3A_385 = tpu.memref_slice %arg4[%add3A_364] : memref<33554432xf32, #tpu.memory_space<hbm>> -> memref<8192xf32, #tpu.memory_space<hbm>>
        %dma_wait3A_386 = arith.constant 0 : i32
        %dma_wait3A_387 = tpu.memref_slice %arg5[%dma_wait3A_377, %dma_wait3A_386] : memref<4x8192xf32, #tpu.memory_space<vmem>> -> memref<1x8192xf32, #tpu.memory_space<vmem>>
        %dma_wait3A_388 = tpu.memref_squeeze %dma_wait3A_387 : memref<1x8192xf32, #tpu.memory_space<vmem>> -> memref<8192xf32, #tpu.memory_space<vmem>>
        tpu.wait_dma2 semaphore(%dma_wait3A_384 : memref<!tpu.dma_semaphore, #tpu.memory_space<semaphore_mem>>) src(%dma_wait3A_388 : memref<8192xf32, #tpu.memory_space<vmem>>) dst(%dma_wait3A_385 : memref<8192xf32, #tpu.memory_space<hbm>>)
      } else {
      }
      %add3A_370 = arith.constant 3 : i32
      %add3A_371 = arith.addi %add3A_311, %add3A_370 : i32
      %lt3A_372 = arith.constant 128 : i32
      %lt3A_373 = arith.cmpi slt, %add3A_371, %lt3A_372 : i32
      %convert_element_type3A_374 = arith.extui %lt3A_373 : i1 to i32
      %cond3A_375 = arith.constant 0 : i32
      %cond3A_376 = arith.cmpi ne, %convert_element_type3A_374, %cond3A_375 : i32
      scf.if %cond3A_376 {
        %add3A_377 = arith.constant 3 : i32
        %add3A_378 = arith.addi %add3A_311, %add3A_377 : i32
        %mul3A_379 = arith.constant 8192 : i32
        %mul3A_380 = arith.muli %add3A_378, %mul3A_379 : i32
        %add3A_381 = arith.addi %mul3A_2, %mul3A_380 : i32
        %dma_start3A_382 = arith.constant 2 : i32
        %dma_start3A_383 = arith.constant 2 : i32
        %dma_start3A_384 = arith.constant 0 : i32
        %dma_start3A_385 = tpu.memref_slice %arg5[%dma_start3A_382, %dma_start3A_384] : memref<4x8192xf32, #tpu.memory_space<vmem>> -> memref<1x8192xf32, #tpu.memory_space<vmem>>
        %dma_start3A_386 = tpu.memref_squeeze %dma_start3A_385 : memref<1x8192xf32, #tpu.memory_space<vmem>> -> memref<8192xf32, #tpu.memory_space<vmem>>
        %dma_start3A_387 = tpu.memref_slice %arg2[%add3A_381] : memref<33554432xf32, #tpu.memory_space<hbm>> -> memref<8192xf32, #tpu.memory_space<hbm>>
        %dma_start3A_388 = tpu.memref_slice %arg7[%dma_start3A_383] : memref<4x!tpu.dma_semaphore, #tpu.memory_space<semaphore_mem>> -> memref<1x!tpu.dma_semaphore, #tpu.memory_space<semaphore_mem>>
        %dma_start3A_389 = tpu.memref_squeeze %dma_start3A_388 : memref<1x!tpu.dma_semaphore, #tpu.memory_space<semaphore_mem>> -> memref<!tpu.dma_semaphore, #tpu.memory_space<semaphore_mem>>
        %dma_start3A_390 = arith.constant 0 : i32
        %dma_start3A_391 = tpu.memref_slice %arg5[%dma_start3A_382, %dma_start3A_390] : memref<4x8192xf32, #tpu.memory_space<vmem>> -> memref<1x8192xf32, #tpu.memory_space<vmem>>
        %dma_start3A_392 = tpu.memref_squeeze %dma_start3A_391 : memref<1x8192xf32, #tpu.memory_space<vmem>> -> memref<8192xf32, #tpu.memory_space<vmem>>
        %dma_start3A_393 = tpu.memref_slice %arg2[%add3A_381] : memref<33554432xf32, #tpu.memory_space<hbm>> -> memref<8192xf32, #tpu.memory_space<hbm>>
        tpu.enqueue_dma source(%dma_start3A_393 : memref<8192xf32, #tpu.memory_space<hbm>>) target(%dma_start3A_392 : memref<8192xf32, #tpu.memory_space<vmem>>) target_semaphore(%dma_start3A_389 : memref<!tpu.dma_semaphore, #tpu.memory_space<semaphore_mem>>)
        %mul3A_394 = arith.constant 8192 : i32
        %mul3A_395 = arith.muli %add3A_378, %mul3A_394 : i32
        %add3A_396 = arith.addi %rem3A_3, %mul3A_395 : i32
        %dma_start3A_397 = arith.constant 2 : i32
        %dma_start3A_398 = arith.constant 2 : i32
        %dma_start3A_399 = arith.constant 0 : i32
        %dma_start3A_400 = tpu.memref_slice %arg6[%dma_start3A_397, %dma_start3A_399] : memref<4x8192xf32, #tpu.memory_space<vmem>> -> memref<1x8192xf32, #tpu.memory_space<vmem>>
        %dma_start3A_401 = tpu.memref_squeeze %dma_start3A_400 : memref<1x8192xf32, #tpu.memory_space<vmem>> -> memref<8192xf32, #tpu.memory_space<vmem>>
        %dma_start3A_402 = tpu.memref_slice %arg3[%add3A_396] : memref<8388608xf32, #tpu.memory_space<hbm>> -> memref<8192xf32, #tpu.memory_space<hbm>>
        %dma_start3A_403 = tpu.memref_slice %arg8[%dma_start3A_398] : memref<4x!tpu.dma_semaphore, #tpu.memory_space<semaphore_mem>> -> memref<1x!tpu.dma_semaphore, #tpu.memory_space<semaphore_mem>>
        %dma_start3A_404 = tpu.memref_squeeze %dma_start3A_403 : memref<1x!tpu.dma_semaphore, #tpu.memory_space<semaphore_mem>> -> memref<!tpu.dma_semaphore, #tpu.memory_space<semaphore_mem>>
        %dma_start3A_405 = arith.constant 0 : i32
        %dma_start3A_406 = tpu.memref_slice %arg6[%dma_start3A_397, %dma_start3A_405] : memref<4x8192xf32, #tpu.memory_space<vmem>> -> memref<1x8192xf32, #tpu.memory_space<vmem>>
        %dma_start3A_407 = tpu.memref_squeeze %dma_start3A_406 : memref<1x8192xf32, #tpu.memory_space<vmem>> -> memref<8192xf32, #tpu.memory_space<vmem>>
        %dma_start3A_408 = tpu.memref_slice %arg3[%add3A_396] : memref<8388608xf32, #tpu.memory_space<hbm>> -> memref<8192xf32, #tpu.memory_space<hbm>>
        tpu.enqueue_dma source(%dma_start3A_408 : memref<8192xf32, #tpu.memory_space<hbm>>) target(%dma_start3A_407 : memref<8192xf32, #tpu.memory_space<vmem>>) target_semaphore(%dma_start3A_404 : memref<!tpu.dma_semaphore, #tpu.memory_space<semaphore_mem>>)
      } else {
      }
    }
    %scan3A_91 = arith.constant 32 : i32
    %add3A_92 = arith.constant 1040384 : i32
    %add3A_93 = arith.addi %mul3A_2, %add3A_92 : i32
    %dma_wait3A = arith.constant 3 : i32
    %dma_wait3A_94 = arith.constant 3 : i32
    %dma_wait3A_95 = arith.constant 0 : i32
    %dma_wait3A_96 = tpu.memref_slice %arg5[%dma_wait3A, %dma_wait3A_95] : memref<4x8192xf32, #tpu.memory_space<vmem>> -> memref<1x8192xf32, #tpu.memory_space<vmem>>
    %dma_wait3A_97 = tpu.memref_squeeze %dma_wait3A_96 : memref<1x8192xf32, #tpu.memory_space<vmem>> -> memref<8192xf32, #tpu.memory_space<vmem>>
    %dma_wait3A_98 = tpu.memref_slice %arg4[%add3A_93] : memref<33554432xf32, #tpu.memory_space<hbm>> -> memref<8192xf32, #tpu.memory_space<hbm>>
    %dma_wait3A_99 = tpu.memref_slice %arg9[%dma_wait3A_94] : memref<4x!tpu.dma_semaphore, #tpu.memory_space<semaphore_mem>> -> memref<1x!tpu.dma_semaphore, #tpu.memory_space<semaphore_mem>>
    %dma_wait3A_100 = tpu.memref_squeeze %dma_wait3A_99 : memref<1x!tpu.dma_semaphore, #tpu.memory_space<semaphore_mem>> -> memref<!tpu.dma_semaphore, #tpu.memory_space<semaphore_mem>>
    %dma_wait3A_101 = tpu.memref_slice %arg4[%add3A_93] : memref<33554432xf32, #tpu.memory_space<hbm>> -> memref<8192xf32, #tpu.memory_space<hbm>>
    %dma_wait3A_102 = arith.constant 0 : i32
    %dma_wait3A_103 = tpu.memref_slice %arg5[%dma_wait3A, %dma_wait3A_102] : memref<4x8192xf32, #tpu.memory_space<vmem>> -> memref<1x8192xf32, #tpu.memory_space<vmem>>
    %dma_wait3A_104 = tpu.memref_squeeze %dma_wait3A_103 : memref<1x8192xf32, #tpu.memory_space<vmem>> -> memref<8192xf32, #tpu.memory_space<vmem>>
    tpu.wait_dma2 semaphore(%dma_wait3A_100 : memref<!tpu.dma_semaphore, #tpu.memory_space<semaphore_mem>>) src(%dma_wait3A_104 : memref<8192xf32, #tpu.memory_space<vmem>>) dst(%dma_wait3A_101 : memref<8192xf32, #tpu.memory_space<hbm>>)
    return
  }
}

</mosaic_0001>

<sc_bundles>
// kernel: kernel.3.cloned.1.call-start
scs
__scs_entry_jumppad:
0x0: {  	(pc) =	sbr.rel $0x88, $3  }
0x1: {  	(tag) =	ssettag $0x0;
	lr =	simm.s32 $0x1  }
0x2: {  	[smem:$0x3F9F] =	sst lr;
	_ =	strace $0xD0000000  }
0x3: {  	_ = 	snop  }
0x4: {  	_ = 	snop  }
0x5: {  	_ = 	snop  }
0x6: {  	_ = 	snop  }
0x7: {  	_ = 	snop  }
__scs_overlays_trampoline_lowered:
0x8: {  	[smem:$0x3FAE] =	sst s0  }
0x9: {  	[smem:$0x3FAF] =	sst s1  }
0xa: {  	[smem:$0x3FB0] =	sst s2  }
0xb: {  	[smem:$0x3FB1] =	sst s3  }
0xc: {  	[smem:$0x3FB2] =	sst s4  }
0xd: {  	[smem:$0x3FB3] =	sst s5  }
0xe: {  	[smem:$0x3FB4] =	sst s6  }
0xf: {  	[smem:$0x3FB5] =	sst s7  }
0x10: {  	[smem:$0x3FB6] =	sst s8  }
0x11: {  	[smem:$0x3FB7] =	sst s9;
	s0 =	simm.s32 @!p0 $0x0  }
0x12: {  	s1 =	sld [smem:$0x3F9D];
	s0 =	simm.s32 @p0 $0x1  }
0x13: {  	[smem:$0x3FB8] =	sst s0;
	s0 =	simm.s32 @!p1 $0x0  }
0x14: {  	s2 =	sld [smem:$0x3F9C];
	s0 =	simm.s32 @p1 $0x1  }
0x15: {  	[smem:$0x3FB9] =	sst s0;
	s0 =	simm.s32 @!p2 $0x0  }
0x16: {  	s3 =	sld [smem:$0x3FDB];
	s0 =	simm.s32 @p2 $0x1  }
0x17: {  	s4 =	simm.s32 $0x1BF5;
	[smem:$0x3FBB] =	sst s0  }
0x18: {  	s0 =	sld [smem:$0x3F9E];
	_ =	swait.ge [sflag:s4], $0x0  }
0x19: {  	s7 =	sld [smem:$0x3F9F]  }
0x1a: {  	s8 =	sadd.s32 $0xFFFFE003, lr  }
0x1b: {  	s9 =	sadd.s32 $0xFFFFFEF7, lr;
	s5 =	simm.s32 $0xFFFFFFFF;
	p2 =	slt.u32 s8, $0xFFFFF086  }
0x1c: {  	p1 =	slt.u32 s9, $0xF7A;
	s5 =	simm.s32 @!p2 $0x0  }
0x1d: {  	s5 =	simm.s32 @p1 $0x1;
	p0 =	seq.s32 s7, s2  }
0x1e: {  	s7 =	smul.u32 @!p0 $0xF7A, s2;
	p2 =	seq.s32 @!p0 s5, $0x0  }
0x1f: {  	s9 =	smul.u32 $0xF7A, s1;
	s8 =	simm.s32 @!p0 $0x1BF5;
	p2 =	por !p2, p0  }
0x20: {  	[sflag:s8] =	ssyncset.s32 @!p0 $0xFFFFF086;
	s6 =	sadd.s32 @!p0 s3, s7;
	s7 =	simm.s32 @!p0 $0x108  }
0x21: {  	s3 =	sadd.s32 s3, s9;
	s6 =	sadd.s32 @!p0 $0x88, s6;
	s7 =	simm.s32 @p2 $0x1082  }
0x22: {  	[simem:s7], [sflag:s8] =	dma.local @!p0 [hbm:s6], $0xF7A  }
0x23: {  	s9 =	sor.u32 $0xD0000000, s2;
	s6 =	simm.s32 $0x108;
	_ =	swait.ge @!p0 [sflag:s8], $0x0  }
0x24: {  	s3 =	sadd.s32 $0x88, s3;
	s6 =	simm.s32 @!p1 $0x1082;
	[sflag:s4] =	ssyncset.s32 $0xFFFFF086  }
0x25: {  	[simem:s6], [sflag:s4] =	dma.local [hbm:s3], $0xF7A  }
0x26: {  	[smem:$0x3F9F] =	sst s1;
	(tag) =	ssettag s2;
	_ =	strace s9  }
0x27: {  	s1 =	sld [smem:$0x3FAF]  }
0x28: {  	s2 =	sld [smem:$0x3FB0]  }
0x29: {  	s4 =	sld [smem:$0x3FB2]  }
0x2a: {  	p0 =	seq.s32 s5, $0x0;
	s5 =	sld [smem:$0x3FB3]  }
0x2b: {  	s6 =	sld [smem:$0x3FB4]  }
0x2c: {  	s7 =	sld [smem:$0x3FB5]  }
0x2d: {  	s3 =	simm.s32 $0x108;
	s8 =	sld [smem:$0x3FB6]  }
0x2e: {  	s3 =	simm.s32 @!p0 $0x1082;
	s9 =	sld [smem:$0x3FB7]  }
0x2f: {  	lr =	sadd.s32 s0, s3;
	s0 =	sld [smem:$0x3FAE]  }
0x30: {  	s3 =	sld [smem:$0x3FB1]  }
0x31: {  	[smem:$0x3FBA] =	sst s10  }
0x32: {  	s10 =	sld [smem:$0x3FB8];
	_ =	sdelay $0x3  }
0x33: {  	p0 =	seq.s32 s10, $0x1;
	s10 =	sld [smem:$0x3FBA];
	_ =	sdelay $0x3  }
0x34: {  	[smem:$0x3FBA] =	sst s10  }
0x35: {  	s10 =	sld [smem:$0x3FB9];
	_ =	sdelay $0x3  }
0x36: {  	p1 =	seq.s32 s10, $0x1;
	s10 =	sld [smem:$0x3FBA];
	_ =	sdelay $0x3  }
0x37: {  	[smem:$0x3FBA] =	sst s10  }
0x38: {  	s10 =	sld [smem:$0x3FBB]  }
0x39: {  	_ = 	snop;
	(pc) =	sbr.ind lr, $3  }
0x3a: {  	_ = 	snop  }
0x3b: {  	_ = 	snop  }
0x3c: {  	p2 =	seq.s32 s10, $0x1;
	s10 =	sld [smem:$0x3FBA]  }
0x3d: {  	_ =	shalt  }
0x3e: {  	_ =	shalt  }
0x3f: {  	_ =	shalt  }
0x40: {  	_ =	shalt  }
0x41: {  	_ =	shalt  }
0x42: {  	_ =	shalt  }
0x43: {  	_ =	shalt  }
0x44: {  	_ =	shalt  }
0x45: {  	_ =	shalt  }
0x46: {  	_ =	shalt  }
0x47: {  	_ =	shalt  }
0x48: {  	_ =	shalt  }
0x49: {  	_ =	shalt  }
0x4a: {  	_ =	shalt  }
0x4b: {  	_ =	shalt  }
0x4c: {  	_ =	shalt  }
0x4d: {  	_ =	shalt  }
0x4e: {  	_ =	shalt  }
0x4f: {  	_ =	shalt  }
0x50: {  	_ =	shalt  }
0x51: {  	_ =	shalt  }
0x52: {  	_ =	shalt  }
0x53: {  	_ =	shalt  }
0x54: {  	_ =	shalt  }
0x55: {  	_ =	shalt  }
0x56: {  	_ =	shalt  }
0x57: {  	_ =	shalt  }
0x58: {  	_ =	shalt  }
0x59: {  	_ =	shalt  }
0x5a: {  	_ =	shalt  }
0x5b: {  	_ =	shalt  }
0x5c: {  	_ =	shalt  }
0x5d: {  	_ =	shalt  }
0x5e: {  	_ =	shalt  }
0x5f: {  	_ =	shalt  }
0x60: {  	_ =	shalt  }
0x61: {  	_ =	shalt  }
0x62: {  	_ =	shalt  }
0x63: {  	_ =	shalt  }
0x64: {  	_ =	shalt  }
0x65: {  	_ =	shalt  }
0x66: {  	_ =	shalt  }
0x67: {  	_ =	shalt  }
0x68: {  	_ =	shalt  }
0x69: {  	_ =	shalt  }
0x6a: {  	_ =	shalt  }
0x6b: {  	_ =	shalt  }
0x6c: {  	_ =	shalt  }
0x6d: {  	_ =	shalt  }
0x6e: {  	_ =	shalt  }
0x6f: {  	_ =	shalt  }
0x70: {  	_ =	shalt  }
0x71: {  	_ =	shalt  }
0x72: {  	_ =	shalt  }
0x73: {  	_ =	shalt  }
0x74: {  	_ =	shalt  }
0x75: {  	_ =	shalt  }
0x76: {  	_ =	shalt  }
0x77: {  	_ =	shalt  }
0x78: {  	_ =	shalt  }
0x79: {  	_ =	shalt  }
0x7a: {  	_ =	shalt  }
0x7b: {  	_ =	shalt  }
0x7c: {  	_ =	shalt  }
0x7d: {  	_ =	shalt  }
0x7e: {  	_ =	shalt  }
0x7f: {  	_ =	shalt  }
0x80: {  	_ =	shalt  }
0x81: {  	_ =	shalt  }
0x82: {  	_ =	shalt  }
0x83: {  	_ =	shalt  }
0x84: {  	_ =	shalt  }
0x85: {  	_ =	shalt  }
0x86: {  	_ =	shalt  }
0x87: {  	_ =	shalt  }
.Lfunc_end0:
.L_simem_size_0:
called_computation.2_lowered:
.L_overlay_start_0:
0x88: {  	s2 =	sld [smem:$0x3FD9]  }
0x89: {  	s3 =	sld [smem:$0x3FFE];
	_ =	sdelay $0x1  }
0x8a: {  	s1 =	srdreg.scid  }
0x8b: {  	s0 =	sand.u32 $0x1, s1  }
0x8c: {  	s17 =	sshll.u32 s0, $0xA;
	s2 =	sadd.s32 s3, s2  }
0x8d: {  	s2 =	sadd.s32 s2, s17  }
0x8e: {  	[smem:$0x3FC6] =	sst s2  }
0x8f: {  	_ = 	snop  }
0x90: {  	s2 =	sld [smem:$0x3FD0];
	(tm) =	ssettm $0x1  }
0x91: {  	s18 =	sld [smem:$0x3FFB];
	_ =	sdelay $0x3  }
0x92: {  	_ =	strace s18  }
0x93: {  	s3 =	sld [smem:$0x3FFC];
	_ =	sdelay $0x3  }
0x94: {  	_ =	strace s3  }
0x95: {  	s3 =	sld [smem:$0x3FFD];
	_ =	sdelay $0x3  }
0x96: {  	_ =	strace s3  }
0x97: {  	_ =	strace $0x8FFFFFFF  }
0x98: {  	s19 =	sld [smem:$0x3FDB];
	_ =	sdelay $0x1  }
0x99: {  	s4 =	simm.s32 $_scs_section_size  }
0x9a: {  	s5 =	simm.s32 $_size__tile_overlayer_lowered;
	s6 =	simm.s32 $_tile_overlayer_lowered  }
0x9b: {  	s22 =	simm.s32 $0x1BFF;
	s21 =	sshll.u32 s6, $0x1;
	s3 =	sadd.s32 s4, s19  }
0x9c: {  	s7 =	simm.s32 $0x0;
	s20 =	sshll.u32 s5, $0x1;
	s5 =	sadd.s32 s21, s3  }
0x9d: {  	[timem:s7], [sflag:s22] =	dma.local [hbm:s5], s20  }
0x9e: {  	_ =	swait.ge [sflag:s22], s20  }
0x9f: {  	s4 =	ssub.s32 $0x0, s20;
	[sflag:s22] =	ssyncset.done $0x0  }
0xa0: {  	[sflag:s22] =	ssyncadd.s32 s4;
	_ =	sdelay $0x1  }
0xa1: {  	s23 =	simm.s32 $0x1B8B  }
0xa2: {  	_ =	swait.ge [sflag:s23], $0x1  }
0xa3: {  	[sflag:s23] =	ssyncset.done $0x0  }
0xa4: {  	s25 =	simm.s32 $0x1B8E;
	s24 =	sld [smem:$0x3FFE];
	[sflag:s23] =	ssyncadd.s32 $0xFFFFFFFF  }
0xa5: {  	s26 =	simm.s32 $execute0_lowered;
	[smem:$0x3FD2] =	sst s25  }
0xa6: {  	s5 =	sshll.u32 s26, $0x1;
	_ =	strace $0x8000004C;
	[dreg:$0x1] =	wrdreg $0xFFFFFFFF  }
0xa7: {  	s28 =	simm.s32 $_size_execute0_lowered;
	s3 =	sadd.s32 s3, s5;
	[dreg:$0x0] =	wrdreg $0x0  }
0xa8: {  	s5 =	sshll.u32 s28, $0x1;
	[dreg:$0x2] =	wrdreg s3  }
0xa9: {  	[dreg:$0x3] =	wrdreg s5  }
0xaa: {  	[dreg:$0x4] =	wrdreg $0xC0  }
0xab: {  	_ =	task [dreg:s7], $0x5FFFF  }
0xac: {  	[dreg:$0x1] =	wrdreg $0xFFFFFFFF  }
0xad: {  	[dreg:$0x0] =	wrdreg $0x60  }
0xae: {  	[dreg:$0x2] =	wrdreg s2  }
0xaf: {  	[dreg:$0x3] =	wrdreg s24  }
0xb0: {  	[dreg:$0x4] =	wrdreg $0x9  }
0xb1: {  	_ =	task.clear_ibuf [dreg:s7], $0x5FFFF;
	_ =	strace $0x9000004C  }
0xb2: {  	s29 =	simm.s32 $0x9;
	_ =	strace $0x8000004E  }
0xb3: {  	_ =	swait.ge [sflag:s29], $0x1  }
0xb4: {  	[sflag:s29] =	ssyncadd.s32 $0xFFFFFFFF  }
0xb5: {  	_ =	strace $0x9000004E  }
0xb6: {  	_ =	sfence  }
0xb7: {  	s30 =	sld [smem:$0x0];
	_ =	sdelay $0x2  }
0xb8: {  	s31 =	sshll.u32 s1, $0xD;
	s1 =	sshrl.u32 s1, $0x2  }
0xb9: {  	s3 =	sand.u32 $0x4000, s31;
	s1 =	sadd.s32 s1, s30  }
0xba: {  	s0 =	sor.u32 s3, s0;
	s1 =	sshll.u32 s1, $0x11  }
0xbb: {  	s0 =	sor.u32 s1, s0  }
0xbc: {  	s0 =	sadd.s32 $0x8F2B, s0  }
0xbd: {  	[sflag:s0] =	ssyncadd.remote.s32 $0x1  }
0xbe: {  	_ =	sfence.sel $0xFFFF  }
0xbf: {  	[dreg:$0x0] =	wrdreg $0xFFFFFFFF;
	(pc) =	sbr.abs _section_cstart, $3  }
0xc0: {  	[dreg:$0x1] =	wrdreg $0xFFFFFFFF  }
0xc1: {  	_ =	task.clear_ibuf [dreg:s7], $0x2FFFF;
	_ =	strace $0x9FFFFFFF  }
0xc2: {  	(tm) =	ssettm $0x7FFFFFFF  }
0xc3: {  	_ =	shalt  }
tec
execute0_lowered:
.L_overlay_start_1:
0x0: {  	(tag) =	ssettag $0x1  }
0x1: {  	s8 =	rddreg [dreg:$0x0]  }
0x2: {  	s0 =	rddreg [dreg:$0x1];
	s1 =	srdreg.scid  }
0x3: {  	s3 =	simm.s32 $0x0;
	s2 =	stileid.u32;
	s16 =	simm.s32 $0x5  }
0x4: {  	s17 =	simm.s32 $0x2;
	s18 =	simm.s32 $0x6;
	s19 =	simm.s32 $0x9  }
0x5: {  	s20 =	simm.s32 $0x3;
	s21 =	simm.s32 $0x7;
	s22 =	simm.s32 $0xA  }
0x6: {  	s23 =	simm.s32 $0x4;
	s24 =	simm.s32 $0x8;
	s25 =	simm.s32 $0xB  }
0x7: {  	s1 =	sand.u32 $0x1, s1;
	[smem:$0x7FF] =	sst s3;
	s2 =	sshll.u32 s2, $0x15  }
0x8: {  	s4 =	sadd.s32 $0xC00, s0;
	s6 =	sadd.s32 $0x100C00, s0;
	s5 =	sshll.u32 s1, $0x14  }
0x9: {  	_ =	strace $0x8000004D;
	s31 =	ssub.s32 $0x2, s1;
	s5 =	sor.u32 s5, s2  }
.Ltmp0:
0xa: {  	s1 =	sshrl.u32 s31, $0x1;
	s7 =	sand.u32 $0x700000, s5;
	(pc) =	sbr.rel .LBB2_1-.Ltmp0, $4  }
0xb: {  	s2 =	sshrl.u32 s5, $0x3;
	s0 =	ssub.s32 s31, s1;
	s9 =	sshrl.u32 s7, $0x3  }
0xc: {  	s8 =	sadd.s32 s8, s2;
	s0 =	smax.u32 s0, $0x1;
	s2 =	simm.s32 $0x0  }
0xd: {  	s9 =	sadd.s32 s4, s9;
	s10 =	sadd.s32 $0x400, s8;
	s12 =	sadd.s32 $0x800, s8  }
0xe: {  	[dreg:$0x3] =	wrdreg s0;
	s11 =	sadd.s32 $0x400, s9;
	s13 =	sadd.s32 $0x800, s9  }
.LBB2_52:
0xf: {  	s1 =	simm.s32 $0xC  }
0x10: {  	_ =	swait.ge [sflag:s1], $0x2000  }
0x11: {  	s2 =	rddreg [dreg:$0x4]  }
0x12: {  	s0 =	rddreg [dreg:$0x3];
	s2 =	sadd.s32 $0x1, s2  }
0x13: {  	p0 =	sne.s32 s2, s0  }
.Ltmp1:
0x14: {  	_ = 	snop;
	(pc) =	sbr.rel @!p0 .LBB2_53-.Ltmp1, $3  }
0x15: {  	_ =	sdelay $0x1  }
0x16: {  	[sflag:s1] =	ssyncset.done $0x0  }
0x17: {  	[sflag:s1] =	ssyncadd.s32 $0xFFFFE000  }
.LBB2_1:
0x18: {  	[dreg:$0x4] =	wrdreg s2;
	s0 =	simm.s32 $0x10  }
0x19: {  	s14 =	sadd.s32 $0x0, s8;
	s2 =	simm.s32 $0x200;
	s1 =	simm.s32 $0x0  }
.LBB2_2:
0x1a: {  	[tilespmem:s1], [sflag:$0x1] =	stream.linear.gather [hbm4b:s14+s3], $0x80, $0x38;
	[tilespmem:$0x10000] =	vst v63  }
0x1b: {  	s14 =	smov.u32 s0;
	s1 =	smov.u32 s2;
	p0 =	sne.s32 s0, $0x3F0  }
.Ltmp2:
0x1c: {  	s0 =	sadd.s32 $0x10, s0;
	(pc) =	sbr.rel @p0 .LBB2_2-.Ltmp2, $2  }
0x1d: {  	_ =	sdelay $0x2  }
0x1e: {  	s2 =	sadd.s32 $0x200, s2;
	s14 =	sadd.s32 s14, s8  }
0x1f: {  	[tilespmem:s1], [sflag:$0x1] =	stream.linear.gather [hbm4b:s14+s3], $0x80, $0x38;
	[tilespmem:$0x10000] =	vst v63  }
0x20: {  	s0 =	simm.s32 $0x8000  }
0x21: {  	s2 =	simm.s32 $0x10;
	s1 =	sadd.s32 $0x0, s9;
	s14 =	simm.s32 $0x8200  }
.LBB2_4:
0x22: {  	[tilespmem:s0], [sflag:$0x5] =	stream.linear.gather [hbm4b:s1+s3], $0x80, $0x38;
	[tilespmem:$0x10000] =	vst v63  }
0x23: {  	s1 =	smov.u32 s2;
	s0 =	smov.u32 s14;
	p0 =	sne.s32 s2, $0x3F0  }
.Ltmp3:
0x24: {  	s2 =	sadd.s32 $0x10, s2;
	(pc) =	sbr.rel @p0 .LBB2_4-.Ltmp3, $2  }
0x25: {  	_ =	sdelay $0x2  }
0x26: {  	s14 =	sadd.s32 $0x200, s14;
	s1 =	sadd.s32 s1, s9  }
0x27: {  	[tilespmem:s0], [sflag:$0x5] =	stream.linear.gather [hbm4b:s1+s3], $0x80, $0x38;
	[tilespmem:$0x10000] =	vst v63  }
0x28: {  	s0 =	simm.s32 $0x80  }
0x29: {  	s2 =	simm.s32 $0x10;
	s1 =	sadd.s32 $0x0, s10;
	s14 =	simm.s32 $0x280  }
.LBB2_6:
0x2a: {  	[tilespmem:s0], [sflag:$0x2] =	stream.linear.gather [hbm4b:s1+s3], $0x80, $0x38;
	[tilespmem:$0x10000] =	vst v63  }
0x2b: {  	s1 =	smov.u32 s2;
	s0 =	smov.u32 s14;
	p0 =	sne.s32 s2, $0x3F0  }
.Ltmp4:
0x2c: {  	s2 =	sadd.s32 $0x10, s2;
	(pc) =	sbr.rel @p0 .LBB2_6-.Ltmp4, $2  }
0x2d: {  	_ =	sdelay $0x2  }
0x2e: {  	s14 =	sadd.s32 $0x200, s14;
	s1 =	sadd.s32 s1, s10  }
0x2f: {  	[tilespmem:s0], [sflag:$0x2] =	stream.linear.gather [hbm4b:s1+s3], $0x80, $0x38;
	[tilespmem:$0x10000] =	vst v63  }
0x30: {  	s0 =	simm.s32 $0x8080  }
0x31: {  	s2 =	simm.s32 $0x10;
	s1 =	sadd.s32 $0x0, s11;
	s14 =	simm.s32 $0x8280  }
.LBB2_8:
0x32: {  	[tilespmem:s0], [sflag:$0x6] =	stream.linear.gather [hbm4b:s1+s3], $0x80, $0x38;
	[tilespmem:$0x10000] =	vst v63  }
0x33: {  	s1 =	smov.u32 s2;
	s0 =	smov.u32 s14;
	p0 =	sne.s32 s2, $0x3F0  }
.Ltmp5:
0x34: {  	s2 =	sadd.s32 $0x10, s2;
	(pc) =	sbr.rel @p0 .LBB2_8-.Ltmp5, $2  }
0x35: {  	_ =	sdelay $0x2  }
0x36: {  	s14 =	sadd.s32 $0x200, s14;
	s1 =	sadd.s32 s1, s11  }
0x37: {  	[tilespmem:s0], [sflag:$0x6] =	stream.linear.gather [hbm4b:s1+s3], $0x80, $0x38;
	[tilespmem:$0x10000] =	vst v63  }
0x38: {  	s0 =	simm.s32 $0x100  }
0x39: {  	s2 =	simm.s32 $0x10;
	s1 =	sadd.s32 $0x0, s12;
	s14 =	simm.s32 $0x300  }
.LBB2_10:
0x3a: {  	[tilespmem:s0], [sflag:$0x3] =	stream.linear.gather [hbm4b:s1+s3], $0x80, $0x38;
	[tilespmem:$0x10000] =	vst v63  }
0x3b: {  	s1 =	smov.u32 s2;
	s0 =	smov.u32 s14;
	p0 =	sne.s32 s2, $0x3F0  }
.Ltmp6:
0x3c: {  	s2 =	sadd.s32 $0x10, s2;
	(pc) =	sbr.rel @p0 .LBB2_10-.Ltmp6, $2  }
0x3d: {  	_ =	sdelay $0x2  }
0x3e: {  	s14 =	sadd.s32 $0x200, s14;
	s1 =	sadd.s32 s1, s12  }
0x3f: {  	[tilespmem:s0], [sflag:$0x3] =	stream.linear.gather [hbm4b:s1+s3], $0x80, $0x38;
	[tilespmem:$0x10000] =	vst v63  }
0x40: {  	s29 =	simm.s32 $0x0;
	s0 =	simm.s32 $0x8100  }
0x41: {  	s2 =	simm.s32 $0x10;
	s1 =	sadd.s32 $0x0, s13;
	s14 =	simm.s32 $0x8300  }
.LBB2_12:
0x42: {  	[tilespmem:s0], [sflag:$0x7] =	stream.linear.gather [hbm4b:s1+s29], $0x80, $0x38;
	[tilespmem:$0x10000] =	vst v63  }
0x43: {  	s1 =	smov.u32 s2;
	s0 =	smov.u32 s14;
	p0 =	sne.s32 s2, $0x3F0  }
.Ltmp7:
0x44: {  	s2 =	sadd.s32 $0x10, s2;
	(pc) =	sbr.rel @p0 .LBB2_12-.Ltmp7, $2  }
0x45: {  	_ =	sdelay $0x2  }
0x46: {  	s14 =	sadd.s32 $0x200, s14;
	s1 =	sadd.s32 s1, s13  }
0x47: {  	[tilespmem:s0], [sflag:$0x7] =	stream.linear.gather [hbm4b:s1+s29], $0x80, $0x38;
	[tilespmem:$0x10000] =	vst v63  }
.LBB2_14:
0x48: {  	s0 =	simm.s32 $0x1  }
0x49: {  	_ =	swait.ge [sflag:s0], $0x2000  }
0x4a: {  	[sflag:s0] =	ssyncset.done $0x0  }
0x4b: {  	[sflag:s0] =	ssyncadd.s32 $0xFFFFE000  }
0x4c: {  	s28 =	simm.s32 $0x0;
	_ =	swait.ge [sflag:s16], $0x2000  }
0x4d: {  	s1 =	sand.u32 $0x40, s28;
	s0 =	sand.u32 $0x7E00, s28;
	[sflag:s16] =	ssyncset.done $0x0  }
0x4e: {  	s0 =	sor.u32 s1, s0;
	[sflag:s16] =	ssyncadd.s32 $0xFFFFE000  }
0x4f: {  	v0 =	vld [tilespmem:s0+$0x8000]  }
0x50: {  	v3 =	vld [tilespmem:s0+$0x8010]  }
0x51: {  	v5 =	vld [tilespmem:s0+$0x8020]  }
0x52: {  	v6 =	vld [tilespmem:s0+$0x8030]  }
0x53: {  	v1 =	vld [tilespmem:s0+$0x0]  }
0x54: {  	s30 =	simm.s32 $0x100;
	s2 =	simm.s32 $0x40;
	v7 =	vld [tilespmem:s0+$0x10]  }
0x55: {  	s2 =	sand.u32 $0x40, s2;
	s1 =	sand.u32 $0x7E00, s30;
	v8 =	vld [tilespmem:s0+$0x20]  }
0x56: {  	s31 =	sor.u32 s2, s1;
	v9 =	vld [tilespmem:s0+$0x30]  }
0x57: {  	v4 =	vld [tilespmem:s31+$0x8000]  }
0x58: {  	v2 =	vld [tilespmem:s31+$0x8010];
	v10 =	vadd.f32 v0, v1  }
0x59: {  	v1 =	vld [tilespmem:s31+$0x8020];
	v7 =	vadd.f32 v3, v7  }
0x5a: {  	v0 =	vld [tilespmem:s31+$0x8030];
	v8 =	vadd.f32 v5, v8;
	[tilespmem:s0+$0x0] =	vst v10  }
0x5b: {  	v6 =	vadd.f32 v6, v9;
	v3 =	vld [tilespmem:s31+$0x0];
	[tilespmem:s0+$0x10] =	vst v7  }
0x5c: {  	s14 =	simm.s32 $0x80;
	s2 =	simm.s32 $0x200;
	v5 =	vld [tilespmem:s31+$0x10];
	[tilespmem:s0+$0x20] =	vst v8  }
.LBB2_15:
0x5d: {  	s1 =	sand.u32 $0x40, s14;
	s15 =	sand.u32 $0x7E00, s2;
	p0 =	sne.s32 s14, $0x1FC0;
	v7 =	vld [tilespmem:s31+$0x20];
	[tilespmem:s0+$0x30] =	vst v6;
	v6 =	vmov v2  }
0x5e: {  	s0 =	smov.u32 s31;
	v8 =	vld [tilespmem:s31+$0x30];
	v9 =	vmov v1;
	s31 =	sor.u32 s1, s15  }
0x5f: {  	v10 =	vld [tilespmem:s31+$0x8000];
	v11 =	vmov v0  }
.Ltmp8:
0x60: {  	v2 =	vld [tilespmem:s31+$0x8010];
	v3 =	vadd.f32 v4, v3;
	(pc) =	sbr.rel @p0 .LBB2_15-.Ltmp8, $4  }
0x61: {  	v1 =	vld [tilespmem:s31+$0x8020];
	v12 =	vadd.f32 v6, v5  }
0x62: {  	v0 =	vld [tilespmem:s31+$0x8030];
	[tilespmem:s0+$0x0] =	vst v3;
	v7 =	vadd.f32 v9, v7  }
0x63: {  	v3 =	vld [tilespmem:s31+$0x0];
	[tilespmem:s0+$0x10] =	vst v12;
	v6 =	vadd.f32 v11, v8  }
0x64: {  	s2 =	sadd.s32 $0x100, s2;
	s14 =	sadd.s32 $0x40, s14;
	v5 =	vld [tilespmem:s31+$0x10];
	[tilespmem:s0+$0x20] =	vst v7;
	v4 =	vmov v10  }
0x65: {  	v7 =	vld [tilespmem:s31+$0x20];
	[tilespmem:s0+$0x30] =	vst v6  }
0x66: {  	v6 =	vld [tilespmem:s31+$0x30];
	_ =	sdelay $0x1  }
0x67: {  	v3 =	vadd.f32 v4, v3  }
0x68: {  	s30 =	sshll.u32 s29, $0xF;
	v2 =	vadd.f32 v2, v5  }
0x69: {  	s26 =	sor.u32 s5, s30;
	[tilespmem:s31+$0x0] =	vst v3;
	v1 =	vadd.f32 v1, v7  }
0x6a: {  	s0 =	sshrl.u32 s26, $0x3;
	[tilespmem:s31+$0x10] =	vst v2;
	v0 =	vadd.f32 v0, v6  }
0x6b: {  	s14 =	simm.s32 $0x0;
	s2 =	sadd.s32 s6, s0;
	[tilespmem:s31+$0x20] =	vst v1  }
0x6c: {  	s28 =	simm.s32 $0x200;
	s26 =	simm.s32 $0x10;
	s1 =	sadd.s32 $0x0, s2;
	[tilespmem:s31+$0x30] =	vst v0  }
.LBB2_17:
0x6d: {  	[hbm4b:s1+s3] =	stream.linear.scatter [tilespmem:s14], [sflag:$0x9], $0x80, $0x38;
	[tilespmem:$0x10000] =	vst v63  }
0x6e: {  	s1 =	smov.u32 s26;
	s14 =	smov.u32 s28;
	p0 =	sne.s32 s26, $0x3F0  }
.Ltmp9:
0x6f: {  	s26 =	sadd.s32 $0x10, s26;
	(pc) =	sbr.rel @p0 .LBB2_17-.Ltmp9, $2  }
0x70: {  	_ =	sdelay $0x2  }
0x71: {  	s28 =	sadd.s32 $0x200, s28;
	s1 =	sadd.s32 s1, s2  }
0x72: {  	[hbm4b:s1+s3] =	stream.linear.scatter [tilespmem:s14], [sflag:$0x9], $0x80, $0x38;
	[tilespmem:$0x10000] =	vst v63  }
0x73: {  	p0 =	seq.s32 s29, $0x0  }
0x74: {  	s1 =	simm.s32 @!p0 $0xC  }
0x75: {  	_ =	swait.ge @!p0 [sflag:s1], $0x2000  }
0x76: {  	s2 =	sor.u32 $0x6000, s30;
	[sflag:s1] =	ssyncset.done @!p0 $0x0  }
0x77: {  	s26 =	sor.u32 s5, s2;
	[sflag:s1] =	ssyncadd.s32 @!p0 $0xFFFFE000  }
0x78: {  	s31 =	sshrl.u32 s26, $0x3;
	s1 =	rddreg [dreg:$0x0]  }
0x79: {  	s28 =	simm.s32 $0x10;
	s14 =	sadd.s32 s1, s31  }
0x7a: {  	s26 =	simm.s32 $0x180;
	s1 =	simm.s32 $0x380;
	s15 =	sadd.s32 $0x0, s14  }
.LBB2_19:
0x7b: {  	[tilespmem:s26], [sflag:$0x4] =	stream.linear.gather [hbm4b:s15+s3], $0x80, $0x38;
	[tilespmem:$0x10000] =	vst v63  }
0x7c: {  	s15 =	smov.u32 s28;
	s26 =	smov.u32 s1;
	p0 =	sne.s32 s28, $0x3F0  }
.Ltmp10:
0x7d: {  	s28 =	sadd.s32 $0x10, s28;
	(pc) =	sbr.rel @p0 .LBB2_19-.Ltmp10, $2  }
0x7e: {  	_ =	sdelay $0x2  }
0x7f: {  	s1 =	sadd.s32 $0x200, s1;
	s15 =	sadd.s32 s15, s14  }
0x80: {  	[tilespmem:s26], [sflag:$0x4] =	stream.linear.gather [hbm4b:s15+s3], $0x80, $0x38;
	[tilespmem:$0x10000] =	vst v63  }
0x81: {  	s1 =	sor.u32 s7, s2  }
0x82: {  	s1 =	sshrl.u32 s1, $0x3  }
0x83: {  	s14 =	simm.s32 $0x8180;
	s2 =	sadd.s32 s4, s1  }
0x84: {  	s26 =	simm.s32 $0x10;
	s1 =	simm.s32 $0x8380;
	s15 =	sadd.s32 $0x0, s2  }
.LBB2_21:
0x85: {  	[tilespmem:s14], [sflag:$0x8] =	stream.linear.gather [hbm4b:s15+s3], $0x80, $0x38;
	[tilespmem:$0x10000] =	vst v63  }
0x86: {  	s15 =	smov.u32 s26;
	s14 =	smov.u32 s1;
	p0 =	sne.s32 s26, $0x3F0  }
.Ltmp11:
0x87: {  	s26 =	sadd.s32 $0x10, s26;
	(pc) =	sbr.rel @p0 .LBB2_21-.Ltmp11, $2  }
0x88: {  	_ =	sdelay $0x2  }
0x89: {  	s1 =	sadd.s32 $0x200, s1;
	s15 =	sadd.s32 s15, s2  }
0x8a: {  	[tilespmem:s14], [sflag:$0x8] =	stream.linear.gather [hbm4b:s15+s3], $0x80, $0x38;
	[tilespmem:$0x10000] =	vst v63  }
0x8b: {  	_ =	swait.ge [sflag:s17], $0x2000  }
0x8c: {  	[sflag:s17] =	ssyncset.done $0x0  }
0x8d: {  	[sflag:s17] =	ssyncadd.s32 $0xFFFFE000  }
0x8e: {  	s1 =	simm.s32 $0x0;
	_ =	swait.ge [sflag:s18], $0x2000  }
0x8f: {  	s2 =	sand.u32 $0x40, s1;
	s1 =	sand.u32 $0x7E00, s1;
	[sflag:s18] =	ssyncset.done $0x0  }
0x90: {  	s14 =	sor.u32 s2, s1;
	[sflag:s18] =	ssyncadd.s32 $0xFFFFE000  }
0x91: {  	v0 =	vld [tilespmem:s14+$0x8080]  }
0x92: {  	v3 =	vld [tilespmem:s14+$0x8090]  }
0x93: {  	v5 =	vld [tilespmem:s14+$0x80A0]  }
0x94: {  	v6 =	vld [tilespmem:s14+$0x80B0]  }
0x95: {  	v2 =	vld [tilespmem:s14+$0x80]  }
0x96: {  	s15 =	simm.s32 $0x100;
	s26 =	simm.s32 $0x40;
	v7 =	vld [tilespmem:s14+$0x90]  }
0x97: {  	s2 =	sand.u32 $0x40, s26;
	s1 =	sand.u32 $0x7E00, s15;
	v8 =	vld [tilespmem:s14+$0xA0]  }
0x98: {  	s2 =	sor.u32 s2, s1;
	v9 =	vld [tilespmem:s14+$0xB0]  }
0x99: {  	v4 =	vld [tilespmem:s2+$0x8080]  }
0x9a: {  	v1 =	vld [tilespmem:s2+$0x8090];
	v10 =	vadd.f32 v0, v2  }
0x9b: {  	v2 =	vld [tilespmem:s2+$0x80A0];
	v7 =	vadd.f32 v3, v7  }
0x9c: {  	v0 =	vld [tilespmem:s2+$0x80B0];
	v8 =	vadd.f32 v5, v8;
	[tilespmem:s14+$0x80] =	vst v10  }
0x9d: {  	v6 =	vadd.f32 v6, v9;
	v3 =	vld [tilespmem:s2+$0x80];
	[tilespmem:s14+$0x90] =	vst v7  }
0x9e: {  	s28 =	simm.s32 $0x80;
	s26 =	simm.s32 $0x200;
	v5 =	vld [tilespmem:s2+$0x90];
	[tilespmem:s14+$0xA0] =	vst v8  }
.LBB2_23:
0x9f: {  	s1 =	sand.u32 $0x40, s28;
	s15 =	sand.u32 $0x7E00, s26;
	p0 =	sne.s32 s28, $0x1FC0;
	v7 =	vld [tilespmem:s2+$0xA0];
	[tilespmem:s14+$0xB0] =	vst v6;
	v6 =	vmov v1  }
0xa0: {  	s14 =	smov.u32 s2;
	v8 =	vld [tilespmem:s2+$0xB0];
	v9 =	vmov v2;
	s2 =	sor.u32 s1, s15  }
0xa1: {  	v10 =	vld [tilespmem:s2+$0x8080];
	v11 =	vmov v0  }
.Ltmp12:
0xa2: {  	v1 =	vld [tilespmem:s2+$0x8090];
	v3 =	vadd.f32 v4, v3;
	(pc) =	sbr.rel @p0 .LBB2_23-.Ltmp12, $4  }
0xa3: {  	v2 =	vld [tilespmem:s2+$0x80A0];
	v12 =	vadd.f32 v6, v5  }
0xa4: {  	v0 =	vld [tilespmem:s2+$0x80B0];
	[tilespmem:s14+$0x80] =	vst v3;
	v7 =	vadd.f32 v9, v7  }
0xa5: {  	v3 =	vld [tilespmem:s2+$0x80];
	[tilespmem:s14+$0x90] =	vst v12;
	v6 =	vadd.f32 v11, v8  }
0xa6: {  	s26 =	sadd.s32 $0x100, s26;
	s28 =	sadd.s32 $0x40, s28;
	v5 =	vld [tilespmem:s2+$0x90];
	[tilespmem:s14+$0xA0] =	vst v7;
	v4 =	vmov v10  }
0xa7: {  	v7 =	vld [tilespmem:s2+$0xA0];
	[tilespmem:s14+$0xB0] =	vst v6  }
0xa8: {  	v6 =	vld [tilespmem:s2+$0xB0];
	_ =	sdelay $0x1  }
0xa9: {  	v3 =	vadd.f32 v4, v3  }
0xaa: {  	v1 =	vadd.f32 v1, v5  }
0xab: {  	[tilespmem:s2+$0x80] =	vst v3;
	v2 =	vadd.f32 v2, v7  }
0xac: {  	s0 =	sadd.s32 s0, s6;
	[tilespmem:s2+$0x90] =	vst v1;
	v0 =	vadd.f32 v0, v6  }
0xad: {  	s26 =	simm.s32 $0x80;
	s14 =	sadd.s32 $0x400, s0;
	[tilespmem:s2+$0xA0] =	vst v2  }
0xae: {  	s1 =	simm.s32 $0x280;
	s15 =	sadd.s32 $0x0, s14;
	[tilespmem:s2+$0xB0] =	vst v0;
	s2 =	simm.s32 $0x10  }
.LBB2_25:
0xaf: {  	[hbm4b:s15+s3] =	stream.linear.scatter [tilespmem:s26], [sflag:$0xA], $0x80, $0x38;
	[tilespmem:$0x10000] =	vst v63  }
0xb0: {  	s15 =	smov.u32 s2;
	s26 =	smov.u32 s1;
	p0 =	sne.s32 s2, $0x3F0  }
.Ltmp13:
0xb1: {  	s2 =	sadd.s32 $0x10, s2;
	(pc) =	sbr.rel @p0 .LBB2_25-.Ltmp13, $2  }
0xb2: {  	_ =	sdelay $0x2  }
0xb3: {  	s1 =	sadd.s32 $0x200, s1;
	s15 =	sadd.s32 s15, s14  }
0xb4: {  	p0 =	seq.s32 s29, $0x1F  }
.Ltmp14:
0xb5: {  	_ = 	snop;
	(pc) =	sbr.rel @p0 .LBB2_32-.Ltmp14, $4  }
0xb6: {  	[hbm4b:s15+s3] =	stream.linear.scatter [tilespmem:s26], [sflag:$0xA], $0x80, $0x38;
	[tilespmem:$0x10000] =	vst v63  }
0xb7: {  	_ =	swait.ge [sflag:s19], $0x2000  }
0xb8: {  	[sflag:s19] =	ssyncset.done $0x0  }
0xb9: {  	[sflag:s19] =	ssyncadd.s32 $0xFFFFE000  }
0xba: {  	s2 =	sadd.s32 $0x8000, s30  }
0xbb: {  	s1 =	sadd.s32 s5, s2  }
0xbc: {  	s14 =	rddreg [dreg:$0x0];
	s1 =	sshrl.u32 s1, $0x3  }
0xbd: {  	s26 =	simm.s32 $0x0;
	s14 =	sadd.s32 s14, s1  }
0xbe: {  	s28 =	simm.s32 $0x10;
	s1 =	simm.s32 $0x200;
	s15 =	sadd.s32 $0x0, s14  }
.LBB2_28:
0xbf: {  	[tilespmem:s26], [sflag:$0x1] =	stream.linear.gather [hbm4b:s15+s3], $0x80, $0x38;
	[tilespmem:$0x10000] =	vst v63  }
0xc0: {  	s15 =	smov.u32 s28;
	s26 =	smov.u32 s1;
	p1 =	sne.s32 s28, $0x3F0  }
.Ltmp15:
0xc1: {  	s28 =	sadd.s32 $0x10, s28;
	(pc) =	sbr.rel @p1 .LBB2_28-.Ltmp15, $2  }
0xc2: {  	_ =	sdelay $0x2  }
0xc3: {  	s1 =	sadd.s32 $0x200, s1;
	s15 =	sadd.s32 s15, s14  }
0xc4: {  	[tilespmem:s26], [sflag:$0x1] =	stream.linear.gather [hbm4b:s15+s3], $0x80, $0x38;
	[tilespmem:$0x10000] =	vst v63  }
0xc5: {  	s1 =	sadd.s32 s7, s2  }
0xc6: {  	s1 =	sshrl.u32 s1, $0x3  }
0xc7: {  	s14 =	simm.s32 $0x8000;
	s2 =	sadd.s32 s4, s1  }
0xc8: {  	s26 =	simm.s32 $0x10;
	s1 =	simm.s32 $0x8200;
	s15 =	sadd.s32 $0x0, s2  }
.LBB2_30:
0xc9: {  	[tilespmem:s14], [sflag:$0x5] =	stream.linear.gather [hbm4b:s15+s3], $0x80, $0x38;
	[tilespmem:$0x10000] =	vst v63  }
0xca: {  	s15 =	smov.u32 s26;
	s14 =	smov.u32 s1;
	p1 =	sne.s32 s26, $0x3F0  }
.Ltmp16:
0xcb: {  	s26 =	sadd.s32 $0x10, s26;
	(pc) =	sbr.rel @p1 .LBB2_30-.Ltmp16, $2  }
0xcc: {  	_ =	sdelay $0x2  }
0xcd: {  	s1 =	sadd.s32 $0x200, s1;
	s15 =	sadd.s32 s15, s2  }
0xce: {  	[tilespmem:s14], [sflag:$0x5] =	stream.linear.gather [hbm4b:s15+s3], $0x80, $0x38;
	[tilespmem:$0x10000] =	vst v63  }
.LBB2_32:
0xcf: {  	_ =	swait.ge [sflag:s20], $0x2000  }
0xd0: {  	p1 =	por $0x0, $0x0;
	s1 =	simm.s32 $0x1;
	[sflag:s20] =	ssyncset.done $0x0  }
0xd1: {  	s1 =	simm.s32 @!p1 $0x0;
	[sflag:s20] =	ssyncadd.s32 $0xFFFFE000  }
0xd2: {  	s1 =	sshll.u32 s1, $0x6;
	_ =	swait.ge [sflag:s21], $0x2000  }
0xd3: {  	s1 =	sadd.s32 $0x0, s1;
	[sflag:s21] =	ssyncset.done $0x0  }
0xd4: {  	s2 =	sor.u32 $0x100, s1;
	[sflag:s21] =	ssyncadd.s32 $0xFFFFE000  }
0xd5: {  	v0 =	vld [tilespmem:s2+$0x0]  }
0xd6: {  	v1 =	vld [tilespmem:s2+$0x8000];
	_ =	sdelay $0x4  }
0xd7: {  	v0 =	vadd.f32 v1, v0;
	_ =	sdelay $0x1  }
0xd8: {  	s26 =	sor.u32 $0x110, s1;
	[tilespmem:s2+$0x0] =	vst v0  }
0xd9: {  	v0 =	vld [tilespmem:s26+$0x0]  }
0xda: {  	v1 =	vld [tilespmem:s26+$0x8000];
	_ =	sdelay $0x4  }
0xdb: {  	v0 =	vadd.f32 v1, v0;
	_ =	sdelay $0x1  }
0xdc: {  	s28 =	sor.u32 $0x120, s1;
	[tilespmem:s26+$0x0] =	vst v0  }
0xdd: {  	v0 =	vld [tilespmem:s28+$0x0]  }
0xde: {  	v1 =	vld [tilespmem:s28+$0x8000];
	_ =	sdelay $0x4  }
0xdf: {  	v0 =	vadd.f32 v1, v0;
	_ =	sdelay $0x1  }
0xe0: {  	s26 =	sor.u32 $0x130, s1;
	[tilespmem:s28+$0x0] =	vst v0  }
0xe1: {  	v0 =	vld [tilespmem:s26+$0x0]  }
0xe2: {  	s14 =	simm.s32 $0x40;
	s2 =	simm.s32 $0x0;
	v1 =	vld [tilespmem:s26+$0x8000]  }
.LBB2_33:
0xe3: {  	_ = 	snop  }
0xe4: {  	p2 =	sne.s32 s14, $0x1FC0  }
0xe5: {  	s2 =	sadd.s32 $0x100, s2;
	p1 =	por !p1, !p1;
	s1 =	simm.s32 $0x1  }
0xe6: {  	s14 =	sadd.s32 $0x40, s14;
	s1 =	simm.s32 @!p1 $0x0  }
0xe7: {  	s1 =	sshll.u32 s1, $0x6;
	v0 =	vadd.f32 v1, v0  }
0xe8: {  	s1 =	sadd.s32 s1, s2  }
0xe9: {  	s15 =	sor.u32 $0x100, s1;
	[tilespmem:s26+$0x0] =	vst v0  }
0xea: {  	v0 =	vld [tilespmem:s15+$0x0]  }
0xeb: {  	v1 =	vld [tilespmem:s15+$0x8000];
	_ =	sdelay $0x4  }
0xec: {  	v0 =	vadd.f32 v1, v0;
	_ =	sdelay $0x1  }
0xed: {  	[tilespmem:s15+$0x0] =	vst v0;
	s15 =	sor.u32 $0x110, s1  }
0xee: {  	v0 =	vld [tilespmem:s15+$0x0]  }
0xef: {  	v1 =	vld [tilespmem:s15+$0x8000];
	_ =	sdelay $0x4  }
0xf0: {  	v0 =	vadd.f32 v1, v0;
	_ =	sdelay $0x1  }
0xf1: {  	[tilespmem:s15+$0x0] =	vst v0;
	s15 =	sor.u32 $0x120, s1  }
0xf2: {  	v0 =	vld [tilespmem:s15+$0x0]  }
0xf3: {  	v1 =	vld [tilespmem:s15+$0x8000];
	_ =	sdelay $0x4  }
.Ltmp17:
0xf4: {  	v0 =	vadd.f32 v1, v0;
	(pc) =	sbr.rel @p2 .LBB2_33-.Ltmp17, $4  }
0xf5: {  	_ = 	snop  }
0xf6: {  	s26 =	sor.u32 $0x130, s1;
	[tilespmem:s15+$0x0] =	vst v0  }
0xf7: {  	v0 =	vld [tilespmem:s26+$0x0]  }
0xf8: {  	v1 =	vld [tilespmem:s26+$0x8000]  }
0xf9: {  	_ =	sdelay $0x3  }
0xfa: {  	v0 =	vadd.f32 v1, v0  }
0xfb: {  	s0 =	sadd.s32 $0x800, s0;
	s2 =	simm.s32 $0x100  }
0xfc: {  	s14 =	simm.s32 $0x10;
	s1 =	simm.s32 $0x300;
	s15 =	sadd.s32 $0x0, s0;
	[tilespmem:s26+$0x0] =	vst v0  }
.LBB2_35:
0xfd: {  	[hbm4b:s15+s3] =	stream.linear.scatter [tilespmem:s2], [sflag:$0xB], $0x80, $0x38;
	[tilespmem:$0x10000] =	vst v63  }
0xfe: {  	s15 =	smov.u32 s14;
	s2 =	smov.u32 s1;
	p1 =	sne.s32 s14, $0x3F0  }
.Ltmp18:
0xff: {  	s14 =	sadd.s32 $0x10, s14;
	(pc) =	sbr.rel @p1 .LBB2_35-.Ltmp18, $2  }
0x100: {  	_ =	sdelay $0x2  }
0x101: {  	s1 =	sadd.s32 $0x200, s1;
	s15 =	sadd.s32 s15, s0  }
.Ltmp19:
0x102: {  	(pc) =	sbr.rel @p0 .LBB2_42-.Ltmp19, $4  }
0x103: {  	[hbm4b:s15+s3] =	stream.linear.scatter [tilespmem:s2], [sflag:$0xB], $0x80, $0x38;
	[tilespmem:$0x10000] =	vst v63  }
0x104: {  	_ =	swait.ge [sflag:s22], $0x2000  }
0x105: {  	[sflag:s22] =	ssyncset.done $0x0  }
0x106: {  	[sflag:s22] =	ssyncadd.s32 $0xFFFFE000  }
0x107: {  	s0 =	sadd.s32 $0xA000, s30  }
0x108: {  	s1 =	sadd.s32 s5, s0  }
0x109: {  	s2 =	rddreg [dreg:$0x0];
	s1 =	sshrl.u32 s1, $0x3  }
0x10a: {  	s14 =	simm.s32 $0x80;
	s2 =	sadd.s32 s2, s1  }
0x10b: {  	s26 =	simm.s32 $0x10;
	s1 =	simm.s32 $0x280;
	s15 =	sadd.s32 $0x0, s2  }
.LBB2_38:
0x10c: {  	[tilespmem:s14], [sflag:$0x2] =	stream.linear.gather [hbm4b:s15+s3], $0x80, $0x38;
	[tilespmem:$0x10000] =	vst v63  }
0x10d: {  	s15 =	smov.u32 s26;
	s14 =	smov.u32 s1;
	p1 =	sne.s32 s26, $0x3F0  }
.Ltmp20:
0x10e: {  	s26 =	sadd.s32 $0x10, s26;
	(pc) =	sbr.rel @p1 .LBB2_38-.Ltmp20, $2  }
0x10f: {  	_ =	sdelay $0x2  }
0x110: {  	s1 =	sadd.s32 $0x200, s1;
	s15 =	sadd.s32 s15, s2  }
0x111: {  	[tilespmem:s14], [sflag:$0x2] =	stream.linear.gather [hbm4b:s15+s3], $0x80, $0x38;
	[tilespmem:$0x10000] =	vst v63  }
0x112: {  	s0 =	sadd.s32 s7, s0  }
0x113: {  	s0 =	sshrl.u32 s0, $0x3  }
0x114: {  	s2 =	simm.s32 $0x8080;
	s0 =	sadd.s32 s4, s0  }
0x115: {  	s14 =	simm.s32 $0x10;
	s1 =	simm.s32 $0x8280;
	s15 =	sadd.s32 $0x0, s0  }
.LBB2_40:
0x116: {  	[tilespmem:s2], [sflag:$0x6] =	stream.linear.gather [hbm4b:s15+s3], $0x80, $0x38;
	[tilespmem:$0x10000] =	vst v63  }
0x117: {  	s15 =	smov.u32 s14;
	s2 =	smov.u32 s1;
	p1 =	sne.s32 s14, $0x3F0  }
.Ltmp21:
0x118: {  	s14 =	sadd.s32 $0x10, s14;
	(pc) =	sbr.rel @p1 .LBB2_40-.Ltmp21, $2  }
0x119: {  	_ =	sdelay $0x2  }
0x11a: {  	s1 =	sadd.s32 $0x200, s1;
	s15 =	sadd.s32 s15, s0  }
0x11b: {  	[tilespmem:s2], [sflag:$0x6] =	stream.linear.gather [hbm4b:s15+s3], $0x80, $0x38;
	[tilespmem:$0x10000] =	vst v63  }
.LBB2_42:
0x11c: {  	_ =	swait.ge [sflag:s23], $0x2000  }
0x11d: {  	p1 =	por $0x0, $0x0;
	s0 =	simm.s32 $0x1;
	[sflag:s23] =	ssyncset.done $0x0  }
0x11e: {  	s0 =	simm.s32 @!p1 $0x0;
	[sflag:s23] =	ssyncadd.s32 $0xFFFFE000  }
0x11f: {  	s0 =	sshll.u32 s0, $0x6;
	_ =	swait.ge [sflag:s24], $0x2000  }
0x120: {  	s0 =	sadd.s32 $0x0, s0;
	[sflag:s24] =	ssyncset.done $0x0  }
0x121: {  	s1 =	sor.u32 $0x180, s0;
	[sflag:s24] =	ssyncadd.s32 $0xFFFFE000  }
0x122: {  	v0 =	vld [tilespmem:s1+$0x0]  }
0x123: {  	v1 =	vld [tilespmem:s1+$0x8000];
	_ =	sdelay $0x4  }
0x124: {  	v0 =	vadd.f32 v1, v0;
	_ =	sdelay $0x1  }
0x125: {  	s26 =	sor.u32 $0x190, s0;
	[tilespmem:s1+$0x0] =	vst v0  }
0x126: {  	v0 =	vld [tilespmem:s26+$0x0]  }
0x127: {  	v1 =	vld [tilespmem:s26+$0x8000];
	_ =	sdelay $0x4  }
0x128: {  	v0 =	vadd.f32 v1, v0;
	_ =	sdelay $0x1  }
0x129: {  	s28 =	sor.u32 $0x1A0, s0;
	[tilespmem:s26+$0x0] =	vst v0  }
0x12a: {  	v0 =	vld [tilespmem:s28+$0x0]  }
0x12b: {  	v1 =	vld [tilespmem:s28+$0x8000];
	_ =	sdelay $0x4  }
0x12c: {  	v0 =	vadd.f32 v1, v0;
	_ =	sdelay $0x1  }
0x12d: {  	s14 =	sor.u32 $0x1B0, s0;
	[tilespmem:s28+$0x0] =	vst v0  }
0x12e: {  	v0 =	vld [tilespmem:s14+$0x0]  }
0x12f: {  	s2 =	simm.s32 $0x40;
	s0 =	simm.s32 $0x0;
	v1 =	vld [tilespmem:s14+$0x8000]  }
.LBB2_43:
0x130: {  	_ = 	snop  }
0x131: {  	p2 =	sne.s32 s2, $0x1FC0  }
0x132: {  	s0 =	sadd.s32 $0x100, s0;
	p1 =	por !p1, !p1;
	s1 =	simm.s32 $0x1  }
0x133: {  	s2 =	sadd.s32 $0x40, s2;
	s1 =	simm.s32 @!p1 $0x0  }
0x134: {  	s1 =	sshll.u32 s1, $0x6;
	v0 =	vadd.f32 v1, v0  }
0x135: {  	s1 =	sadd.s32 s1, s0  }
0x136: {  	s15 =	sor.u32 $0x180, s1;
	[tilespmem:s14+$0x0] =	vst v0  }
0x137: {  	v0 =	vld [tilespmem:s15+$0x0]  }
0x138: {  	v1 =	vld [tilespmem:s15+$0x8000];
	_ =	sdelay $0x4  }
0x139: {  	v0 =	vadd.f32 v1, v0;
	_ =	sdelay $0x1  }
0x13a: {  	s14 =	sor.u32 $0x190, s1;
	[tilespmem:s15+$0x0] =	vst v0  }
0x13b: {  	v0 =	vld [tilespmem:s14+$0x0]  }
0x13c: {  	v1 =	vld [tilespmem:s14+$0x8000];
	_ =	sdelay $0x4  }
0x13d: {  	v0 =	vadd.f32 v1, v0;
	_ =	sdelay $0x1  }
0x13e: {  	[tilespmem:s14+$0x0] =	vst v0;
	s14 =	sor.u32 $0x1A0, s1  }
0x13f: {  	v0 =	vld [tilespmem:s14+$0x0]  }
0x140: {  	v1 =	vld [tilespmem:s14+$0x8000];
	_ =	sdelay $0x4  }
.Ltmp22:
0x141: {  	v0 =	vadd.f32 v1, v0;
	(pc) =	sbr.rel @p2 .LBB2_43-.Ltmp22, $4  }
0x142: {  	_ = 	snop  }
0x143: {  	[tilespmem:s14+$0x0] =	vst v0;
	s14 =	sor.u32 $0x1B0, s1  }
0x144: {  	v0 =	vld [tilespmem:s14+$0x0]  }
0x145: {  	v1 =	vld [tilespmem:s14+$0x8000]  }
0x146: {  	_ =	sdelay $0x3  }
0x147: {  	v0 =	vadd.f32 v1, v0  }
0x148: {  	s0 =	sadd.s32 s6, s31;
	s2 =	simm.s32 $0x180  }
0x149: {  	s1 =	simm.s32 $0x380;
	s15 =	sadd.s32 $0x0, s0;
	[tilespmem:s14+$0x0] =	vst v0;
	s14 =	simm.s32 $0x10  }
.LBB2_45:
0x14a: {  	[hbm4b:s15+s3] =	stream.linear.scatter [tilespmem:s2], [sflag:$0xC], $0x80, $0x38;
	[tilespmem:$0x10000] =	vst v63  }
0x14b: {  	s15 =	smov.u32 s14;
	s2 =	smov.u32 s1;
	p1 =	sne.s32 s14, $0x3F0  }
.Ltmp23:
0x14c: {  	s14 =	sadd.s32 $0x10, s14;
	(pc) =	sbr.rel @p1 .LBB2_45-.Ltmp23, $2  }
0x14d: {  	_ =	sdelay $0x2  }
0x14e: {  	s1 =	sadd.s32 $0x200, s1;
	s15 =	sadd.s32 s15, s0  }
.Ltmp24:
0x14f: {  	(pc) =	sbr.rel @p0 .LBB2_52-.Ltmp24, $4  }
0x150: {  	[hbm4b:s15+s3] =	stream.linear.scatter [tilespmem:s2], [sflag:$0xC], $0x80, $0x38;
	[tilespmem:$0x10000] =	vst v63  }
0x151: {  	_ =	swait.ge [sflag:s25], $0x2000  }
0x152: {  	[sflag:s25] =	ssyncset.done $0x0  }
0x153: {  	[sflag:s25] =	ssyncadd.s32 $0xFFFFE000  }
0x154: {  	s0 =	sadd.s32 $0xC000, s30  }
0x155: {  	s1 =	sadd.s32 s5, s0  }
0x156: {  	s2 =	rddreg [dreg:$0x0];
	s1 =	sshrl.u32 s1, $0x3  }
0x157: {  	s14 =	simm.s32 $0x100;
	s2 =	sadd.s32 s2, s1  }
0x158: {  	s26 =	simm.s32 $0x10;
	s1 =	simm.s32 $0x300;
	s15 =	sadd.s32 $0x0, s2  }
.LBB2_48:
0x159: {  	[tilespmem:s14], [sflag:$0x3] =	stream.linear.gather [hbm4b:s15+s3], $0x80, $0x38;
	[tilespmem:$0x10000] =	vst v63  }
0x15a: {  	s15 =	smov.u32 s26;
	s14 =	smov.u32 s1;
	p0 =	sne.s32 s26, $0x3F0  }
.Ltmp25:
0x15b: {  	s26 =	sadd.s32 $0x10, s26;
	(pc) =	sbr.rel @p0 .LBB2_48-.Ltmp25, $2  }
0x15c: {  	_ =	sdelay $0x2  }
0x15d: {  	s1 =	sadd.s32 $0x200, s1;
	s15 =	sadd.s32 s15, s2  }
0x15e: {  	[tilespmem:s14], [sflag:$0x3] =	stream.linear.gather [hbm4b:s15+s3], $0x80, $0x38;
	[tilespmem:$0x10000] =	vst v63  }
0x15f: {  	s0 =	sadd.s32 s7, s0  }
0x160: {  	s0 =	sshrl.u32 s0, $0x3  }
0x161: {  	s2 =	simm.s32 $0x8100;
	s0 =	sadd.s32 s4, s0  }
0x162: {  	s14 =	simm.s32 $0x10;
	s1 =	simm.s32 $0x8300;
	s15 =	sadd.s32 $0x0, s0  }
.LBB2_50:
0x163: {  	[tilespmem:s2], [sflag:$0x7] =	stream.linear.gather [hbm4b:s15+s3], $0x80, $0x38;
	[tilespmem:$0x10000] =	vst v63  }
0x164: {  	s15 =	smov.u32 s14;
	s2 =	smov.u32 s1;
	p0 =	sne.s32 s14, $0x3F0  }
.Ltmp26:
0x165: {  	s14 =	sadd.s32 $0x10, s14;
	(pc) =	sbr.rel @p0 .LBB2_50-.Ltmp26, $2  }
0x166: {  	_ =	sdelay $0x2  }
0x167: {  	s1 =	sadd.s32 $0x200, s1;
	s15 =	sadd.s32 s15, s0  }
.Ltmp27:
0x168: {  	(pc) =	sbr.rel .LBB2_14-.Ltmp27, $3  }
0x169: {  	_ =	sdelay $0x1  }
0x16a: {  	[tilespmem:s2], [sflag:$0x7] =	stream.linear.gather [hbm4b:s15+s3], $0x80, $0x38;
	[tilespmem:$0x10000] =	vst v63  }
0x16b: {  	s29 =	sadd.s32 $0x1, s29  }
.LBB2_53:
0x16c: {  	_ =	sfence.sel $0x180000  }
0x16d: {  	[bflag:$0x0] =	sbarrier.arrive $0xFFFF  }
0x16e: {  	_ =	strace $0x9000004D  }
0x16f: {  	s0 =	stileid.u32;
	[bflag:$0x2] =	sbarrier.arrive $0xFFFF  }
0x170: {  	p0 =	sne.s32 s0, $0x0;
	s0 =	rddreg [dreg:$0x2]  }
0x171: {  	s0 =	sadd.s32 @!p0 $0x100000, s0  }
0x172: {  	[sflag:s0] =	ssyncadd.tile.s32 @!p0 $0x1;
	_ =	shalt  }
.Lfunc_end2:
_tile_overlayer_lowered:
.L_overlay_start_2:
0x173: {  	(tag) =	ssettag $0x2  }
0x174: {  	s0 =	rddreg [dreg:$0x0];
	s2 =	stileid.u32  }
0x175: {  	s1 =	rddreg [dreg:$0x1];
	p0 =	sne.s32 s2, $0x0  }
0x176: {  	s3 =	rddreg [dreg:$0x2];
	[bflag:$0x3] =	sbarrier.arrive $0xFFFF;
	s2 =	simm.s32 @!p0 $0x1C0D  }
0x177: {  	[timem:s3], [sflag:s2] =	dma.local @!p0 [hbm:s0], s1  }
0x178: {  	s0 =	simm.s32 @!p0 $0xD  }
0x179: {  	_ =	swait.ge @!p0 [sflag:s0], s1  }
0x17a: {  	s1 =	ssub.s32 @!p0 $0x0, s1;
	[sflag:s0] =	ssyncset.done @!p0 $0x0  }
0x17b: {  	[sflag:s0] =	ssyncadd.s32 @!p0 s1  }
0x17c: {  	[bflag:$0x3] =	sbarrier.arrive $0xFFFF  }
0x17d: {  	_ =	shalt  }

// kernel: sparse-core-data-format-call.1.cloned.1.call-start
scs
called_computation.1_lowered:
.L_overlay_start_0:
0x0: {  	s2 =	sld [smem:$0x3FD9]  }
0x1: {  	s3 =	sld [smem:$0x3FFE];
	_ =	sdelay $0x1  }
0x2: {  	s1 =	srdreg.scid  }
0x3: {  	s0 =	sand.u32 $0x1, s1  }
0x4: {  	s19 =	sshll.u32 s0, $0xA;
	s2 =	sadd.s32 s3, s2  }
0x5: {  	s2 =	sadd.s32 s2, s19  }
0x6: {  	[smem:$0x3FC6] =	sst s2  }
0x7: {  	_ = 	snop  }
0x8: {  	s20 =	sld [smem:$0x3FC9]  }
0x9: {  	s4 =	sld [smem:$0x3FD0];
	(tm) =	ssettm $0x1  }
0xa: {  	s21 =	sld [smem:$0x3FFB];
	_ =	sdelay $0x3  }
0xb: {  	_ =	strace s21  }
0xc: {  	s2 =	sld [smem:$0x3FFC];
	_ =	sdelay $0x3  }
0xd: {  	_ =	strace s2  }
0xe: {  	s2 =	sld [smem:$0x3FFD];
	_ =	sdelay $0x3  }
0xf: {  	_ =	strace s2  }
0x10: {  	_ =	strace $0x8FFFFFFF  }
0x11: {  	s22 =	sld [smem:$0x3FDB];
	_ =	sdelay $0x1  }
0x12: {  	s5 =	simm.s32 $_scs_section_size  }
0x13: {  	s6 =	simm.s32 $_size__tile_overlayer_lowered;
	s7 =	simm.s32 $_tile_overlayer_lowered  }
0x14: {  	s8 =	simm.s32 $0x1BFF;
	s23 =	sshll.u32 s7, $0x1;
	s5 =	sadd.s32 s5, s22  }
0x15: {  	s24 =	simm.s32 $0x0;
	s6 =	sshll.u32 s6, $0x1;
	s7 =	sadd.s32 s23, s5  }
0x16: {  	[timem:s24], [sflag:s8] =	dma.local [hbm:s7], s6  }
0x17: {  	_ =	swait.ge [sflag:s8], s6  }
0x18: {  	s6 =	ssub.s32 $0x0, s6;
	[sflag:s8] =	ssyncset.done $0x0  }
0x19: {  	[sflag:s8] =	ssyncadd.s32 s6;
	_ =	sdelay $0x1  }
0x1a: {  	s25 =	simm.s32 $0x1B8B  }
0x1b: {  	_ =	swait.ge [sflag:s25], $0x1  }
0x1c: {  	[sflag:s25] =	ssyncset.done $0x0  }
0x1d: {  	[sflag:s25] =	ssyncadd.s32 $0xFFFFFFFF  }
0x1e: {  	s6 =	sld [smem:$0x0]  }
0x1f: {  	s7 =	sand.u32 $0xFFFFFFFE, s1  }
0x20: {  	p0 =	sne.s32 s1, s7  }
0x21: {  	s7 =	sshll.u32 @p0 s7, $0xE  }
0x22: {  	s7 =	sadd.s32 @p0 $0x11B8D, s7;
	s8 =	sshll.u32 @p0 s6, $0x11  }
0x23: {  	s7 =	sor.u32 @p0 s8, s7  }
0x24: {  	[sflag:s7] =	ssyncadd.remote.s32 @p0 $0x1;
	_ =	sdelay $0x1  }
0x25: {  	s7 =	simm.s32 @p0 $0x1B8D  }
0x26: {  	_ =	swait.eq @p0 [sflag:s7], $0x1  }
0x27: {  	[sflag:s7] =	ssyncadd.s32 @p0 $0xFFFFFFFF  }
0x28: {  	s8 =	sshll.u32 @!p0 s1, $0xE  }
0x29: {  	s8 =	sor.u32 @!p0 $0x4000, s8;
	s7 =	simm.s32 @!p0 $0x1B8D  }
0x2a: {  	s6 =	sshll.u32 @!p0 s6, $0x11;
	s8 =	sadd.s32 @!p0 $0x11B8D, s8;
	_ =	swait.eq @!p0 [sflag:s7], $0x1  }
0x2b: {  	s6 =	sor.u32 @!p0 s6, s8;
	[sflag:s7] =	ssyncadd.s32 @!p0 $0xFFFFFFFF  }
0x2c: {  	s26 =	simm.s32 $0x1B8E;
	[sflag:s6] =	ssyncadd.remote.s32 @!p0 $0x1  }
0x2d: {  	s27 =	simm.s32 $execute0_lowered;
	[smem:$0x3FD2] =	sst s26  }
0x2e: {  	s6 =	sshll.u32 s27, $0x1;
	_ =	strace $0x80000049;
	[dreg:$0x1] =	wrdreg $0xFFFFFFFF  }
0x2f: {  	s28 =	simm.s32 $_size_execute0_lowered;
	s5 =	sadd.s32 s5, s6;
	[dreg:$0x0] =	wrdreg $0x0  }
0x30: {  	s6 =	sshll.u32 s28, $0x1;
	[dreg:$0x2] =	wrdreg s5  }
0x31: {  	[dreg:$0x3] =	wrdreg s6  }
0x32: {  	[dreg:$0x4] =	wrdreg $0xC0  }
0x33: {  	_ =	task [dreg:s24], $0x5FFFF  }
0x34: {  	[dreg:$0x1] =	wrdreg $0xFFFFFFFF  }
0x35: {  	[dreg:$0x0] =	wrdreg $0x60  }
0x36: {  	[dreg:$0x2] =	wrdreg s20  }
0x37: {  	[dreg:$0x3] =	wrdreg s4  }
0x38: {  	[dreg:$0x4] =	wrdreg $0xA  }
0x39: {  	_ =	task.clear_ibuf [dreg:s24], $0x5FFFF;
	_ =	strace $0x90000049  }
0x3a: {  	s29 =	simm.s32 $0xA;
	_ =	strace $0x8000004B  }
0x3b: {  	_ =	swait.ge [sflag:s29], $0x1  }
0x3c: {  	[sflag:s29] =	ssyncadd.s32 $0xFFFFFFFF  }
0x3d: {  	_ =	strace $0x9000004B  }
0x3e: {  	_ =	sfence  }
0x3f: {  	s30 =	sld [smem:$0x0];
	_ =	sdelay $0x2  }
0x40: {  	s31 =	sshll.u32 s1, $0xD;
	s1 =	sshrl.u32 s1, $0x2  }
0x41: {  	s4 =	sand.u32 $0x4000, s31;
	s1 =	sadd.s32 s1, s30  }
0x42: {  	s0 =	sor.u32 s4, s0;
	s1 =	sshll.u32 s1, $0x11  }
0x43: {  	s0 =	sor.u32 s1, s0  }
0x44: {  	s0 =	sadd.s32 $0x8F2B, s0  }
0x45: {  	[sflag:s0] =	ssyncadd.remote.s32 $0x1  }
0x46: {  	_ =	sfence.sel $0xFFFF  }
0x47: {  	[dreg:$0x0] =	wrdreg $0xFFFFFFFF;
	(pc) =	sbr.abs _section_cstart, $3  }
0x48: {  	[dreg:$0x1] =	wrdreg $0xFFFFFFFF  }
0x49: {  	_ =	task.clear_ibuf [dreg:s24], $0x2FFFF;
	_ =	strace $0x9FFFFFFF  }
0x4a: {  	(tm) =	ssettm $0x7FFFFFFF  }
0x4b: {  	_ =	shalt  }
tec
execute0_lowered:
.L_overlay_start_1:
0x0: {  	(tag) =	ssettag $0x1  }
0x1: {  	s0 =	srdreg.scid  }
0x2: {  	s1 =	sshll.u32 s0, $0x4  }
0x3: {  	s2 =	rddreg [dreg:$0x0];
	s0 =	stileid.u32;
	s1 =	sand.u32 $0x10, s1  }
0x4: {  	s4 =	rddreg [dreg:$0x1];
	s1 =	sor.u32 s0, s1  }
0x5: {  	s7 =	simm.s32 $0x1;
	s8 =	simm.s32 $0x2;
	s3 =	sshll.u32 s1, $0x1  }
0x6: {  	s9 =	simm.s32 $0x0;
	s12 =	simm.s32 $0x0;
	s6 =	ssub.s32 $0x1000, s3  }
.Ltmp0:
0x7: {  	s11 =	simm.s32 $0x0;
	s5 =	sand.u32 $0x3E, s6;
	(pc) =	sbr.rel .LBB1_1-.Ltmp0, $4  }
0x8: {  	s1 =	rddreg [dreg:$0x2];
	_ =	strace $0x8000004A;
	p0 =	sne.s32 s5, $0x0  }
0x9: {  	s6 =	sshrl.u32 s6, $0x6;
	s5 =	simm.s32 $0x1;
	s7 =	simm.s32 @!p0 $0x0  }
0xa: {  	s10 =	smov.u32 s3;
	[sflag:s5] =	ssyncpa.u1 $0x0;
	s6 =	sadd.s32 s7, s6  }
0xb: {  	[sflag:s8] =	ssyncpa.u1 $0x0;
	s8 =	simm.s32 $0x0;
	s7 =	sadd.s32 $0x1, s6  }
.LBB1_9:
0xc: {  	s14 =	sadd.s32 $0x40, s10  }
0xd: {  	p1 =	sgt.s32 s14, $0xFFF  }
0xe: {  	s14 =	smov.u32 @p1 s3;
	p1 =	sne.s32 s11, s7  }
.Ltmp1:
0xf: {  	p0 =	slt.u32 s11, $0x2;
	(pc) =	sbr.rel @!p1 .LBB1_10-.Ltmp1, $4  }
0x10: {  	s13 =	simm.s32 @!p0 $0x2  }
0x11: {  	s15 =	sadd.s32 $0x1, s11;
	_ =	swait.ge @!p0 [sflag:s13], $0x4000  }
0x12: {  	s12 =	smov.u32 s10;
	s9 =	sadd.s32 $0x4000, s9;
	[sflag:s13] =	ssyncset.done @!p0 $0x0  }
0x13: {  	s11 =	smov.u32 s15;
	s10 =	smov.u32 s14;
	[sflag:s13] =	ssyncadd.s32 @!p0 $0xFFFFC000  }
.LBB1_1:
0x14: {  	p0 =	sge.u32 s11, s6  }
0x15: {  	s13 =	sxor.u32 @!p0 $0xFFFFFFFF, s11  }
0x16: {  	s31 =	sadd.s32 $0xFFFFFFFF, s11;
	s14 =	sshll.u32 @!p0 s10, $0xA;
	s13 =	sshll.u32 @!p0 s13, $0xE  }
0x17: {  	s15 =	simm.s32 @!p0 $0x0;
	s14 =	sadd.s32 @!p0 s2, s14;
	s13 =	sand.u32 @!p0 $0x4000, s13  }
0x18: {  	[tilespmem:s13], [sflag:$0x1] =	stream.linear.gather @!p0 [hbm4b:s14+s15], $0x4000, $0x38;
	[tilespmem:$0x10000] =	vst v63  }
0x19: {  	p0 =	sge.u32 s31, s6  }
.Ltmp2:
0x1a: {  	_ = 	snop;
	(pc) =	sbr.rel @p0 .LBB1_9-.Ltmp2, $1  }
0x1b: {  	_ =	sdelay $0x3  }
0x1c: {  	s13 =	sshll.u32 s9, $0x2  }
0x1d: {  	_ =	swait.ge [sflag:s5], $0x4000;
	s14 =	sshll.u32 s11, $0xE;
	s16 =	simm.s32 $0x0  }
0x1e: {  	p1 =	por $0x1, $0x1;
	s13 =	sand.u32 $0x10000, s13;
	[sflag:s5] =	ssyncset.done $0x0  }
0x1f: {  	s14 =	sand.u32 $0x4000, s14;
	s15 =	sshrl.u32 s13, $0x2;
	[sflag:s5] =	ssyncadd.s32 $0xFFFFC000  }
0x20: {  	s13 =	sor.u32 $0x8000, s14;
	s14 =	sadd.s32 $0x8040, s15;
	s15 =	sadd.s32 $0x40, s15  }
.LBB1_3:
0x21: {  	s16 =	sshll.u32 s16, $0x2  }
0x22: {  	p0 =	por p1, p1;
	s17 =	sshra.s32 s16, $0x2  }
0x23: {  	s18 =	simm.s32 $0x0;
	s16 =	sadd.s32 s17, s14;
	s17 =	sadd.s32 s17, s15  }
.LBB1_4:
0x24: {  	v0 =	vmov s17;
	_ =	sdelay $0x3  }
0x25: {  	s20 =	simm.s32 $0x0  }
0x26: {  	v6 =	vld.idx.msk [tilespmem:v0+s20+$0x30 ss:$0x1], $0xffff  }
0x27: {  	v7 =	vld.idx.msk [tilespmem:v0+s20+$0xFFFFFFC0 ss:$0x1], $0xffff  }
0x28: {  	v5 =	vld.idx.msk [tilespmem:v0+s20+$0xFFFFFFD0 ss:$0x1], $0xffff  }
0x29: {  	v4 =	vld.idx.msk [tilespmem:v0+s20+$0xFFFFFFE0 ss:$0x1], $0xffff  }
0x2a: {  	v3 =	vld.idx.msk [tilespmem:v0+s20+$0xFFFFFFF0 ss:$0x1], $0xffff  }
0x2b: {  	v1 =	vld.idx.msk [tilespmem:v0+s20+$0x0 ss:$0x1], $0xffff  }
0x2c: {  	v2 =	vld.idx.msk [tilespmem:v0+s20+$0x10 ss:$0x1], $0xffff;
	[tilespmem:s16+$0x30] =	vst v6  }
0x2d: {  	s19 =	simm.s32 $0x80;
	s21 =	simm.s32 $0x400;
	[tilespmem:s16+$0xFFFFFFC0] =	vst v7;
	v6 =	vld.idx.msk [tilespmem:v0+s20+$0x20 ss:$0x1], $0xffff;
	s20 =	smov.u32 s16  }
.LBB1_5:
0x2e: {  	p1 =	sne.s32 s21, $0xE00;
	v7 =	vld.idx.msk [tilespmem:v0+s19+$0x30 ss:$0x1], $0xffff;
	[tilespmem:s20+$0xFFFFFFD0] =	vst v5  }
0x2f: {  	v8 =	vld.idx.msk [tilespmem:v0+s19+$0xFFFFFFC0 ss:$0x1], $0xffff;
	[tilespmem:s20+$0xFFFFFFE0] =	vst v4  }
0x30: {  	v5 =	vld.idx.msk [tilespmem:v0+s19+$0xFFFFFFD0 ss:$0x1], $0xffff;
	[tilespmem:s20+$0xFFFFFFF0] =	vst v3  }
.Ltmp3:
0x31: {  	v4 =	vld.idx.msk [tilespmem:v0+s19+$0xFFFFFFE0 ss:$0x1], $0xffff;
	[tilespmem:s20+$0x0] =	vst v1;
	(pc) =	sbr.rel @p1 .LBB1_5-.Ltmp3, $4  }
0x32: {  	v3 =	vld.idx.msk [tilespmem:v0+s19+$0xFFFFFFF0 ss:$0x1], $0xffff;
	[tilespmem:s20+$0x10] =	vst v2  }
0x33: {  	v1 =	vld.idx.msk [tilespmem:v0+s19+$0x0 ss:$0x1], $0xffff;
	[tilespmem:s20+$0x20] =	vst v6;
	s20 =	sadd.s32 $0x400, s20  }
0x34: {  	v2 =	vld.idx.msk [tilespmem:v0+s19+$0x10 ss:$0x1], $0xffff;
	[tilespmem:s20+$0x30] =	vst v7  }
0x35: {  	[tilespmem:s20+$0xFFFFFFC0] =	vst v8;
	v6 =	vld.idx.msk [tilespmem:v0+s19+$0x20 ss:$0x1], $0xffff;
	s19 =	sshra.s32 s21, $0x2;
	s21 =	sadd.s32 $0x200, s21  }
0x36: {  	_ =	sdelay $0x2  }
0x37: {  	[tilespmem:s20+$0xFFFFFFD0] =	vst v5  }
0x38: {  	v56 =	vld.idx.msk [tilespmem:v0+s19+$0x30 ss:$0x1], $0xffff;
	[tilespmem:s20+$0xFFFFFFE0] =	vst v4  }
0x39: {  	v57 =	vld.idx.msk [tilespmem:v0+s19+$0xFFFFFFC0 ss:$0x1], $0xffff;
	[tilespmem:s20+$0xFFFFFFF0] =	vst v3  }
0x3a: {  	v58 =	vld.idx.msk [tilespmem:v0+s19+$0xFFFFFFD0 ss:$0x1], $0xffff;
	[tilespmem:s20+$0x0] =	vst v1  }
0x3b: {  	v59 =	vld.idx.msk [tilespmem:v0+s19+$0xFFFFFFE0 ss:$0x1], $0xffff;
	[tilespmem:s20+$0x10] =	vst v2  }
0x3c: {  	v60 =	vld.idx.msk [tilespmem:v0+s19+$0xFFFFFFF0 ss:$0x1], $0xffff;
	s31 =	sadd.s32 $0x400, s20;
	[tilespmem:s20+$0x20] =	vst v6  }
0x3d: {  	v61 =	vld.idx.msk [tilespmem:v0+s19+$0x0 ss:$0x1], $0xffff;
	[tilespmem:s31+$0x30] =	vst v56  }
0x3e: {  	v62 =	vld.idx.msk [tilespmem:v0+s19+$0x10 ss:$0x1], $0xffff;
	s18 =	sadd.s32 $0x1, s18;
	[tilespmem:s31+$0xFFFFFFC0] =	vst v57  }
0x3f: {  	v63 =	vld.idx.msk [tilespmem:v0+s19+$0x20 ss:$0x1], $0xffff;
	p1 =	sne.s32 s18, $0x8;
	[tilespmem:s31+$0xFFFFFFD0] =	vst v58  }
.Ltmp4:
0x40: {  	[tilespmem:s31+$0xFFFFFFE0] =	vst v59;
	(pc) =	sbr.rel @p1 .LBB1_4-.Ltmp4, $4  }
0x41: {  	[tilespmem:s31+$0xFFFFFFF0] =	vst v60  }
0x42: {  	[tilespmem:s31+$0x0] =	vst v61  }
0x43: {  	[tilespmem:s31+$0x10] =	vst v62  }
0x44: {  	s16 =	sadd.s32 $0x80, s16;
	s17 =	sadd.s32 $0x400, s17;
	[tilespmem:s31+$0x20] =	vst v63  }
.Ltmp5:
0x45: {  	(pc) =	sbr.rel @p0 .LBB1_3-.Ltmp5, $2  }
0x46: {  	_ =	sdelay $0x2  }
0x47: {  	s16 =	simm.s32 $0x2000;
	p1 =	por $0x0, $0x0  }
.Ltmp6:
0x48: {  	(pc) =	sbr.rel .LBB1_9-.Ltmp6, $4  }
0x49: {  	_ = 	snop  }
0x4a: {  	s12 =	sshll.u32 s12, $0xA  }
0x4b: {  	s12 =	sadd.s32 s4, s12  }
0x4c: {  	[hbm4b:s12+s8] =	stream.linear.scatter [tilespmem:s13], [sflag:$0x2], $0x4000, $0x38;
	[tilespmem:$0x10000] =	vst v63  }
.LBB1_10:
0x4d: {  	_ =	sfence.sel $0x180000  }
0x4e: {  	s2 =	simm.s32 $0x1;
	[bflag:$0x0] =	sbarrier.arrive $0xFFFF  }
0x4f: {  	s31 =	simm.s32 $0x2;
	[sflag:s2] =	ssyncpa.u1 $0x1  }
0x50: {  	[sflag:s31] =	ssyncpa.u1 $0x1  }
0x51: {  	p0 =	sne.s32 s0, $0x0;
	_ =	strace $0x9000004A  }
0x52: {  	s0 =	sadd.s32 @!p0 $0x100000, s1;
	[bflag:$0x2] =	sbarrier.arrive $0xFFFF  }
0x53: {  	[sflag:s0] =	ssyncadd.tile.s32 @!p0 $0x1;
	_ =	shalt  }
.Lfunc_end1:
_tile_overlayer_lowered:
.L_overlay_start_2:
0x54: {  	(tag) =	ssettag $0x2  }
0x55: {  	s0 =	rddreg [dreg:$0x0];
	s2 =	stileid.u32  }
0x56: {  	s1 =	rddreg [dreg:$0x1];
	p0 =	sne.s32 s2, $0x0  }
0x57: {  	s3 =	rddreg [dreg:$0x2];
	[bflag:$0x3] =	sbarrier.arrive $0xFFFF;
	s2 =	simm.s32 @!p0 $0x1C01  }
0x58: {  	[timem:s3], [sflag:s2] =	dma.local @!p0 [hbm:s0], s1  }
0x59: {  	s0 =	simm.s32 @!p0 $0x1  }
0x5a: {  	_ =	swait.ge @!p0 [sflag:s0], s1  }
0x5b: {  	s1 =	ssub.s32 @!p0 $0x0, s1;
	[sflag:s0] =	ssyncset.done @!p0 $0x0  }
0x5c: {  	[sflag:s0] =	ssyncadd.s32 @!p0 s1  }
0x5d: {  	[bflag:$0x3] =	sbarrier.arrive $0xFFFF  }
0x5e: {  	_ =	shalt  }

// kernel: sparse-core-data-format-call.cloned.1.call-start
scs
called_computation_lowered:
.L_overlay_start_0:
0x0: {  	s2 =	sld [smem:$0x3FD9]  }
0x1: {  	s3 =	sld [smem:$0x3FFE];
	_ =	sdelay $0x1  }
0x2: {  	s1 =	srdreg.scid  }
0x3: {  	s0 =	sand.u32 $0x1, s1  }
0x4: {  	s18 =	sshll.u32 s0, $0xA;
	s2 =	sadd.s32 s3, s2  }
0x5: {  	s2 =	sadd.s32 s2, s18  }
0x6: {  	[smem:$0x3FC6] =	sst s2  }
0x7: {  	_ = 	snop  }
0x8: {  	s2 =	sld [smem:$0x3FC8];
	(tm) =	ssettm $0x1  }
0x9: {  	s19 =	sld [smem:$0x3FFB];
	_ =	sdelay $0x3  }
0xa: {  	_ =	strace s19  }
0xb: {  	s3 =	sld [smem:$0x3FFC];
	_ =	sdelay $0x3  }
0xc: {  	_ =	strace s3  }
0xd: {  	s3 =	sld [smem:$0x3FFD];
	_ =	sdelay $0x3  }
0xe: {  	_ =	strace s3  }
0xf: {  	_ =	strace $0x8FFFFFFF  }
0x10: {  	s20 =	sld [smem:$0x3FDB];
	_ =	sdelay $0x1  }
0x11: {  	s4 =	simm.s32 $_scs_section_size  }
0x12: {  	s5 =	simm.s32 $_size__tile_overlayer_lowered;
	s6 =	simm.s32 $_tile_overlayer_lowered  }
0x13: {  	s23 =	simm.s32 $0x1BFF;
	s22 =	sshll.u32 s6, $0x1;
	s3 =	sadd.s32 s4, s20  }
0x14: {  	s7 =	simm.s32 $0x0;
	s21 =	sshll.u32 s5, $0x1;
	s5 =	sadd.s32 s22, s3  }
0x15: {  	[timem:s7], [sflag:s23] =	dma.local [hbm:s5], s21  }
0x16: {  	_ =	swait.ge [sflag:s23], s21  }
0x17: {  	s4 =	ssub.s32 $0x0, s21;
	[sflag:s23] =	ssyncset.done $0x0  }
0x18: {  	[sflag:s23] =	ssyncadd.s32 s4;
	_ =	sdelay $0x1  }
0x19: {  	s24 =	simm.s32 $0x1B8B  }
0x1a: {  	_ =	swait.ge [sflag:s24], $0x1  }
0x1b: {  	[sflag:s24] =	ssyncset.done $0x0  }
0x1c: {  	s26 =	simm.s32 $0x1B8E;
	s25 =	sld [smem:$0x3FFE];
	[sflag:s24] =	ssyncadd.s32 $0xFFFFFFFF  }
0x1d: {  	s27 =	simm.s32 $execute0_lowered;
	[smem:$0x3FD2] =	sst s26  }
0x1e: {  	s5 =	sshll.u32 s27, $0x1;
	_ =	strace $0x80000046;
	[dreg:$0x1] =	wrdreg $0xFFFFFFFF  }
0x1f: {  	s28 =	simm.s32 $_size_execute0_lowered;
	s3 =	sadd.s32 s3, s5;
	[dreg:$0x0] =	wrdreg $0x0  }
0x20: {  	s5 =	sshll.u32 s28, $0x1;
	[dreg:$0x2] =	wrdreg s3  }
0x21: {  	[dreg:$0x3] =	wrdreg s5  }
0x22: {  	[dreg:$0x4] =	wrdreg $0xC0  }
0x23: {  	_ =	task [dreg:s7], $0x5FFFF  }
0x24: {  	[dreg:$0x1] =	wrdreg $0xFFFFFFFF  }
0x25: {  	[dreg:$0x0] =	wrdreg $0x60  }
0x26: {  	[dreg:$0x2] =	wrdreg s2  }
0x27: {  	[dreg:$0x3] =	wrdreg s25  }
0x28: {  	[dreg:$0x4] =	wrdreg $0x9  }
0x29: {  	_ =	task.clear_ibuf [dreg:s7], $0x5FFFF;
	_ =	strace $0x90000046  }
0x2a: {  	s29 =	simm.s32 $0x9;
	_ =	strace $0x80000048  }
0x2b: {  	_ =	swait.ge [sflag:s29], $0x1  }
0x2c: {  	[sflag:s29] =	ssyncadd.s32 $0xFFFFFFFF  }
0x2d: {  	_ =	strace $0x90000048  }
0x2e: {  	_ =	sfence  }
0x2f: {  	s30 =	sld [smem:$0x0];
	_ =	sdelay $0x2  }
0x30: {  	s31 =	sshll.u32 s1, $0xD;
	s1 =	sshrl.u32 s1, $0x2  }
0x31: {  	s3 =	sand.u32 $0x4000, s31;
	s1 =	sadd.s32 s1, s30  }
0x32: {  	s0 =	sor.u32 s3, s0;
	s1 =	sshll.u32 s1, $0x11  }
0x33: {  	s0 =	sor.u32 s1, s0  }
0x34: {  	s0 =	sadd.s32 $0x8F2B, s0  }
0x35: {  	[sflag:s0] =	ssyncadd.remote.s32 $0x1  }
0x36: {  	_ =	sfence.sel $0xFFFF  }
0x37: {  	[dreg:$0x0] =	wrdreg $0xFFFFFFFF;
	(pc) =	sbr.abs _section_cstart, $3  }
0x38: {  	[dreg:$0x1] =	wrdreg $0xFFFFFFFF  }
0x39: {  	_ =	task.clear_ibuf [dreg:s7], $0x2FFFF;
	_ =	strace $0x9FFFFFFF  }
0x3a: {  	(tm) =	ssettm $0x7FFFFFFF  }
0x3b: {  	_ =	shalt  }
tec
execute0_lowered:
.L_overlay_start_1:
0x0: {  	(tag) =	ssettag $0x1  }
0x1: {  	s0 =	srdreg.scid  }
0x2: {  	s1 =	sshll.u32 s0, $0x4  }
0x3: {  	s2 =	rddreg [dreg:$0x0];
	s0 =	stileid.u32;
	s1 =	sand.u32 $0x10, s1  }
0x4: {  	s4 =	rddreg [dreg:$0x1];
	s7 =	simm.s32 $0x1;
	s1 =	sor.u32 s0, s1  }
0x5: {  	s8 =	simm.s32 $0x2;
	s9 =	simm.s32 $0x0;
	s3 =	sshll.u32 s1, $0x1  }
0x6: {  	s12 =	simm.s32 $0x0;
	s11 =	simm.s32 $0x0;
	s6 =	ssub.s32 $0x400, s3  }
.Ltmp0:
0x7: {  	s4 =	sadd.s32 $0xC00, s4;
	s5 =	sand.u32 $0x3E, s6;
	(pc) =	sbr.rel .LBB1_1-.Ltmp0, $4  }
0x8: {  	s1 =	rddreg [dreg:$0x2];
	_ =	strace $0x80000047;
	p0 =	sne.s32 s5, $0x0  }
0x9: {  	s6 =	sshrl.u32 s6, $0x6;
	s5 =	simm.s32 $0x1;
	s7 =	simm.s32 @!p0 $0x0  }
0xa: {  	s10 =	smov.u32 s3;
	[sflag:s5] =	ssyncpa.u1 $0x0;
	s6 =	sadd.s32 s7, s6  }
0xb: {  	[sflag:s8] =	ssyncpa.u1 $0x0;
	s8 =	simm.s32 $0x0;
	s7 =	sadd.s32 $0x1, s6  }
.LBB1_9:
0xc: {  	s14 =	sadd.s32 $0x40, s10  }
0xd: {  	p1 =	sgt.s32 s14, $0x3FF  }
0xe: {  	s14 =	smov.u32 @p1 s3;
	p1 =	sne.s32 s11, s7  }
.Ltmp1:
0xf: {  	p0 =	slt.u32 s11, $0x2;
	(pc) =	sbr.rel @!p1 .LBB1_10-.Ltmp1, $4  }
0x10: {  	s13 =	simm.s32 @!p0 $0x2  }
0x11: {  	s15 =	sadd.s32 $0x1, s11;
	_ =	swait.ge @!p0 [sflag:s13], $0x4000  }
0x12: {  	s12 =	smov.u32 s10;
	s9 =	sadd.s32 $0x4000, s9;
	[sflag:s13] =	ssyncset.done @!p0 $0x0  }
0x13: {  	s11 =	smov.u32 s15;
	s10 =	smov.u32 s14;
	[sflag:s13] =	ssyncadd.s32 @!p0 $0xFFFFC000  }
.LBB1_1:
0x14: {  	p0 =	sge.u32 s11, s6  }
0x15: {  	s13 =	sxor.u32 @!p0 $0xFFFFFFFF, s11  }
0x16: {  	s31 =	sadd.s32 $0xFFFFFFFF, s11;
	s14 =	sshll.u32 @!p0 s10, $0xA;
	s13 =	sshll.u32 @!p0 s13, $0xE  }
0x17: {  	s15 =	simm.s32 @!p0 $0x0;
	s14 =	sadd.s32 @!p0 s2, s14;
	s13 =	sand.u32 @!p0 $0x4000, s13  }
0x18: {  	[tilespmem:s13], [sflag:$0x1] =	stream.linear.gather @!p0 [hbm4b:s14+s15], $0x4000, $0x38;
	[tilespmem:$0x10000] =	vst v63  }
0x19: {  	p0 =	sge.u32 s31, s6  }
.Ltmp2:
0x1a: {  	_ = 	snop;
	(pc) =	sbr.rel @p0 .LBB1_9-.Ltmp2, $1  }
0x1b: {  	_ =	sdelay $0x3  }
0x1c: {  	s13 =	sshll.u32 s9, $0x2  }
0x1d: {  	_ =	swait.ge [sflag:s5], $0x4000;
	s14 =	sshll.u32 s11, $0xE;
	s16 =	simm.s32 $0x0  }
0x1e: {  	p1 =	por $0x1, $0x1;
	s13 =	sand.u32 $0x10000, s13;
	[sflag:s5] =	ssyncset.done $0x0  }
0x1f: {  	s14 =	sand.u32 $0x4000, s14;
	s15 =	sshrl.u32 s13, $0x2;
	[sflag:s5] =	ssyncadd.s32 $0xFFFFC000  }
0x20: {  	s13 =	sor.u32 $0x8000, s14;
	s14 =	sadd.s32 $0x8040, s15;
	s15 =	sadd.s32 $0x40, s15  }
.LBB1_3:
0x21: {  	s16 =	sshll.u32 s16, $0x2  }
0x22: {  	p0 =	por p1, p1;
	s17 =	sshra.s32 s16, $0x2  }
0x23: {  	s18 =	simm.s32 $0x0;
	s16 =	sadd.s32 s17, s14;
	s17 =	sadd.s32 s17, s15  }
.LBB1_4:
0x24: {  	v0 =	vmov s17;
	_ =	sdelay $0x3  }
0x25: {  	s20 =	simm.s32 $0x0  }
0x26: {  	v6 =	vld.idx.msk [tilespmem:v0+s20+$0x30 ss:$0x1], $0xffff  }
0x27: {  	v7 =	vld.idx.msk [tilespmem:v0+s20+$0xFFFFFFC0 ss:$0x1], $0xffff  }
0x28: {  	v5 =	vld.idx.msk [tilespmem:v0+s20+$0xFFFFFFD0 ss:$0x1], $0xffff  }
0x29: {  	v4 =	vld.idx.msk [tilespmem:v0+s20+$0xFFFFFFE0 ss:$0x1], $0xffff  }
0x2a: {  	v3 =	vld.idx.msk [tilespmem:v0+s20+$0xFFFFFFF0 ss:$0x1], $0xffff  }
0x2b: {  	v1 =	vld.idx.msk [tilespmem:v0+s20+$0x0 ss:$0x1], $0xffff  }
0x2c: {  	v2 =	vld.idx.msk [tilespmem:v0+s20+$0x10 ss:$0x1], $0xffff;
	[tilespmem:s16+$0x30] =	vst v6  }
0x2d: {  	s19 =	simm.s32 $0x80;
	s21 =	simm.s32 $0x400;
	[tilespmem:s16+$0xFFFFFFC0] =	vst v7;
	v6 =	vld.idx.msk [tilespmem:v0+s20+$0x20 ss:$0x1], $0xffff;
	s20 =	smov.u32 s16  }
.LBB1_5:
0x2e: {  	p1 =	sne.s32 s21, $0xE00;
	v7 =	vld.idx.msk [tilespmem:v0+s19+$0x30 ss:$0x1], $0xffff;
	[tilespmem:s20+$0xFFFFFFD0] =	vst v5  }
0x2f: {  	v8 =	vld.idx.msk [tilespmem:v0+s19+$0xFFFFFFC0 ss:$0x1], $0xffff;
	[tilespmem:s20+$0xFFFFFFE0] =	vst v4  }
0x30: {  	v5 =	vld.idx.msk [tilespmem:v0+s19+$0xFFFFFFD0 ss:$0x1], $0xffff;
	[tilespmem:s20+$0xFFFFFFF0] =	vst v3  }
.Ltmp3:
0x31: {  	v4 =	vld.idx.msk [tilespmem:v0+s19+$0xFFFFFFE0 ss:$0x1], $0xffff;
	[tilespmem:s20+$0x0] =	vst v1;
	(pc) =	sbr.rel @p1 .LBB1_5-.Ltmp3, $4  }
0x32: {  	v3 =	vld.idx.msk [tilespmem:v0+s19+$0xFFFFFFF0 ss:$0x1], $0xffff;
	[tilespmem:s20+$0x10] =	vst v2  }
0x33: {  	v1 =	vld.idx.msk [tilespmem:v0+s19+$0x0 ss:$0x1], $0xffff;
	[tilespmem:s20+$0x20] =	vst v6;
	s20 =	sadd.s32 $0x400, s20  }
0x34: {  	v2 =	vld.idx.msk [tilespmem:v0+s19+$0x10 ss:$0x1], $0xffff;
	[tilespmem:s20+$0x30] =	vst v7  }
0x35: {  	[tilespmem:s20+$0xFFFFFFC0] =	vst v8;
	v6 =	vld.idx.msk [tilespmem:v0+s19+$0x20 ss:$0x1], $0xffff;
	s19 =	sshra.s32 s21, $0x2;
	s21 =	sadd.s32 $0x200, s21  }
0x36: {  	_ =	sdelay $0x2  }
0x37: {  	[tilespmem:s20+$0xFFFFFFD0] =	vst v5  }
0x38: {  	v56 =	vld.idx.msk [tilespmem:v0+s19+$0x30 ss:$0x1], $0xffff;
	[tilespmem:s20+$0xFFFFFFE0] =	vst v4  }
0x39: {  	v57 =	vld.idx.msk [tilespmem:v0+s19+$0xFFFFFFC0 ss:$0x1], $0xffff;
	[tilespmem:s20+$0xFFFFFFF0] =	vst v3  }
0x3a: {  	v58 =	vld.idx.msk [tilespmem:v0+s19+$0xFFFFFFD0 ss:$0x1], $0xffff;
	[tilespmem:s20+$0x0] =	vst v1  }
0x3b: {  	v59 =	vld.idx.msk [tilespmem:v0+s19+$0xFFFFFFE0 ss:$0x1], $0xffff;
	[tilespmem:s20+$0x10] =	vst v2  }
0x3c: {  	v60 =	vld.idx.msk [tilespmem:v0+s19+$0xFFFFFFF0 ss:$0x1], $0xffff;
	s31 =	sadd.s32 $0x400, s20;
	[tilespmem:s20+$0x20] =	vst v6  }
0x3d: {  	v61 =	vld.idx.msk [tilespmem:v0+s19+$0x0 ss:$0x1], $0xffff;
	[tilespmem:s31+$0x30] =	vst v56  }
0x3e: {  	v62 =	vld.idx.msk [tilespmem:v0+s19+$0x10 ss:$0x1], $0xffff;
	s18 =	sadd.s32 $0x1, s18;
	[tilespmem:s31+$0xFFFFFFC0] =	vst v57  }
0x3f: {  	v63 =	vld.idx.msk [tilespmem:v0+s19+$0x20 ss:$0x1], $0xffff;
	p1 =	sne.s32 s18, $0x8;
	[tilespmem:s31+$0xFFFFFFD0] =	vst v58  }
.Ltmp4:
0x40: {  	[tilespmem:s31+$0xFFFFFFE0] =	vst v59;
	(pc) =	sbr.rel @p1 .LBB1_4-.Ltmp4, $4  }
0x41: {  	[tilespmem:s31+$0xFFFFFFF0] =	vst v60  }
0x42: {  	[tilespmem:s31+$0x0] =	vst v61  }
0x43: {  	[tilespmem:s31+$0x10] =	vst v62  }
0x44: {  	s16 =	sadd.s32 $0x80, s16;
	s17 =	sadd.s32 $0x400, s17;
	[tilespmem:s31+$0x20] =	vst v63  }
.Ltmp5:
0x45: {  	(pc) =	sbr.rel @p0 .LBB1_3-.Ltmp5, $2  }
0x46: {  	_ =	sdelay $0x2  }
0x47: {  	s16 =	simm.s32 $0x2000;
	p1 =	por $0x0, $0x0  }
.Ltmp6:
0x48: {  	(pc) =	sbr.rel .LBB1_9-.Ltmp6, $4  }
0x49: {  	_ = 	snop  }
0x4a: {  	s12 =	sshll.u32 s12, $0xA  }
0x4b: {  	s12 =	sadd.s32 s4, s12  }
0x4c: {  	[hbm4b:s12+s8] =	stream.linear.scatter [tilespmem:s13], [sflag:$0x2], $0x4000, $0x38;
	[tilespmem:$0x10000] =	vst v63  }
.LBB1_10:
0x4d: {  	_ =	sfence.sel $0x180000  }
0x4e: {  	s2 =	simm.s32 $0x1;
	[bflag:$0x0] =	sbarrier.arrive $0xFFFF  }
0x4f: {  	s31 =	simm.s32 $0x2;
	[sflag:s2] =	ssyncpa.u1 $0x1  }
0x50: {  	[sflag:s31] =	ssyncpa.u1 $0x1  }
0x51: {  	p0 =	sne.s32 s0, $0x0;
	_ =	strace $0x90000047  }
0x52: {  	s0 =	sadd.s32 @!p0 $0x100000, s1;
	[bflag:$0x2] =	sbarrier.arrive $0xFFFF  }
0x53: {  	[sflag:s0] =	ssyncadd.tile.s32 @!p0 $0x1;
	_ =	shalt  }
.Lfunc_end1:
_tile_overlayer_lowered:
.L_overlay_start_2:
0x54: {  	(tag) =	ssettag $0x2  }
0x55: {  	s0 =	rddreg [dreg:$0x0];
	s2 =	stileid.u32  }
0x56: {  	s1 =	rddreg [dreg:$0x1];
	p0 =	sne.s32 s2, $0x0  }
0x57: {  	s3 =	rddreg [dreg:$0x2];
	[bflag:$0x3] =	sbarrier.arrive $0xFFFF;
	s2 =	simm.s32 @!p0 $0x1C01  }
0x58: {  	[timem:s3], [sflag:s2] =	dma.local @!p0 [hbm:s0], s1  }
0x59: {  	s0 =	simm.s32 @!p0 $0x1  }
0x5a: {  	_ =	swait.ge @!p0 [sflag:s0], s1  }
0x5b: {  	s1 =	ssub.s32 @!p0 $0x0, s1;
	[sflag:s0] =	ssyncset.done @!p0 $0x0  }
0x5c: {  	[sflag:s0] =	ssyncadd.s32 @!p0 s1  }
0x5d: {  	[bflag:$0x3] =	sbarrier.arrive $0xFFFF  }
0x5e: {  	_ =	shalt  }

</sc_bundles>
